<compile_context>
chip_gen: v7x
topology: tpu7x:2x2x1
jax: 0.10.2.dev20260603
libtpu: 0.0.44.dev20260713+nightly
codegen_flags: <defaults>
</compile_context>

<pallas_src>
import jax
import jax.numpy as jnp
from jax.experimental import pallas as pl
from jax.experimental.pallas import tpu as pltpu

_BIG = 2 ** 30


def _pad_rows(a, m, value=1e3):
    n = a.shape[0]
    npad = -n % m
    if npad == 0:
        return a
    return jnp.concatenate(
        [a, jnp.full((npad,) + a.shape[1:], value, a.dtype)], axis=0)


def _dist_body(src_ref, dstt_ref, sqs_ref, sqd_ref, out_ref):
    out_ref[...] = (sqs_ref[...] + sqd_ref[...]
                    - 2.0 * jnp.dot(src_ref[...], dstt_ref[...]))


def _sqdist_pallas(src, dst):
    N, M = src.shape[0], dst.shape[0]
    srcp = _pad_rows(src, 256)
    dstp = _pad_rows(dst, 256)
    Np, Mp = srcp.shape[0], dstp.shape[0]
    bm = min(Mp, 2048)
    sqs = jnp.sum(srcp ** 2, -1)[:, None]
    sqd = jnp.sum(dstp ** 2, -1)[None, :]
    out = pl.pallas_call(
        _dist_body,
        grid=(Np // 256, Mp // bm),
        in_specs=[
            pl.BlockSpec((256, 3), lambda i, j: (i, 0)),
            pl.BlockSpec((3, bm), lambda i, j: (0, j)),
            pl.BlockSpec((256, 1), lambda i, j: (i, 0)),
            pl.BlockSpec((1, bm), lambda i, j: (0, j)),
        ],
        out_specs=pl.BlockSpec((256, bm), lambda i, j: (i, j)),
        out_shape=jax.ShapeDtypeStruct((Np, Mp), jnp.float32),
    )(srcp, dstp.T, sqs, sqd)
    return out


def _sqdist(src, dst):
    N, M = src.shape[0], dst.shape[0]
    return _sqdist_pallas(src, dst)[:N, :M]


def _fps_body(xyzp_ref, xyzt_ref, sqn_ref, sqnc_ref, nvalid_ref, idx_ref, dist_ref):
    Np = sqn_ref.shape[1]
    npoint = idx_ref.shape[0]
    gidx = jax.lax.broadcasted_iota(jnp.int32, (1, Np), 1)
    nv = nvalid_ref[0, 0]
    dist_ref[...] = jnp.where(gidx < nv, jnp.float32(1e10), jnp.float32(-1.0))

    def body(i, farthest):
        idx_ref[pl.ds(i, 1), :] = jnp.full((1, 1), farthest, jnp.int32)
        xf = xyzp_ref[pl.ds(farthest, 1), :]
        sqn_f = sqnc_ref[pl.ds(farthest, 1), :][0, 0]
        lhs = jnp.broadcast_to(xf, (8, 3))
        mm = jax.lax.dot_general(lhs, xyzt_ref[...],
                                 (((1,), (0,)), ((), ())),
                                 precision=jax.lax.Precision.DEFAULT)[0:1, :]
        row = (sqn_f + sqn_ref[...]) - 2.0 * mm
        nd = jnp.minimum(dist_ref[...], row)
        dist_ref[...] = nd
        m = jnp.max(nd)
        fa = jnp.min(jnp.where(nd == m, gidx, _BIG))
        return fa

    jax.lax.fori_loop(0, npoint, body, jnp.int32(0))


def _fps_pallas(xyz, npoint):
    N = xyz.shape[0]
    xyzp = _pad_rows(xyz, 256)
    Np = xyzp.shape[0]
    sqn = jnp.sum(xyzp ** 2, -1)
    idx = pl.pallas_call(
        _fps_body,
        in_specs=[
            pl.BlockSpec((Np, 3), lambda: (0, 0)),
            pl.BlockSpec((3, Np), lambda: (0, 0)),
            pl.BlockSpec((1, Np), lambda: (0, 0)),
            pl.BlockSpec((Np, 1), lambda: (0, 0)),
            pl.BlockSpec((1, 1), lambda: (0, 0), memory_space=pltpu.SMEM),
        ],
        out_specs=pl.BlockSpec((npoint, 1), lambda: (0, 0)),
        out_shape=jax.ShapeDtypeStruct((npoint, 1), jnp.int32),
        scratch_shapes=[pltpu.VMEM((1, Np), jnp.float32)],
    )(xyzp, xyzp.T, sqn[None, :], sqn[:, None],
      jnp.full((1, 1), N, jnp.int32))
    return idx[:, 0]


def _batch_norm(x, gamma, beta, axes):
    mean = jnp.mean(x, axis=axes, keepdims=True)
    var = jnp.var(x, axis=axes, keepdims=True)
    return gamma * (x - mean) / jnp.sqrt(var + 1e-5) + beta


def _set_abstraction(xyz, points, dists, radius, nsample, layers):
    N = xyz.shape[0]
    npoint = N // 4
    fps_idx = _fps_pallas(xyz, npoint)
    new_xyz = xyz[fps_idx]
    sqrdists = dists[fps_idx]
    group_idx = jnp.broadcast_to(jnp.arange(N), (npoint, N))
    group_idx = jnp.where(sqrdists > radius ** 2, N, group_idx)
    group_idx = jnp.sort(group_idx, axis=-1)[:, :nsample]
    first = group_idx[:, :1]
    group_idx = jnp.where(group_idx == N, first, group_idx)
    grouped_xyz = xyz[group_idx] - new_xyz[:, None, :]
    feat = jnp.concatenate([points[group_idx], grouped_xyz], axis=-1)
    for lyr in layers:
        feat = feat @ lyr["W"] + lyr["b"]
        feat = _batch_norm(feat, lyr["gamma"], lyr["beta"], axes=(0, 1))
        feat = jax.nn.relu(feat)
    new_points = jnp.max(feat, axis=1)
    new_dists = dists[fps_idx][:, fps_idx]
    return new_xyz, new_points, fps_idx, new_dists


def _feature_propagation(points1, points2, fps_idx, dists, layers):
    d = dists[:, fps_idx]
    neg_vals, idx = jax.lax.top_k(-d, 3)
    dist3 = -neg_vals
    recip = 1.0 / (dist3 + 1e-8)
    weight = recip / jnp.sum(recip, axis=-1, keepdims=True)
    interpolated = jnp.sum(points2[idx] * weight[..., None], axis=1)
    feat = interpolated if points1 is None else jnp.concatenate([points1, interpolated], axis=-1)
    for lyr in layers:
        feat = feat @ lyr["W"] + lyr["b"]
        feat = _batch_norm(feat, lyr["gamma"], lyr["beta"], axes=(0,))
        feat = jax.nn.relu(feat)
    return feat


def kernel(vertices, normals, params):
    dists = _sqdist(vertices, vertices)
    l0_points = jnp.concatenate([vertices, normals], axis=-1)
    l1_xyz, l1_points, fps1, d2 = _set_abstraction(vertices, l0_points, dists, 0.06, 32, params["sa1"])
    l2_xyz, l2_points, fps2, d3 = _set_abstraction(l1_xyz, l1_points, d2, 0.1, 32, params["sa2"])
    l3_xyz, l3_points, fps3, d4 = _set_abstraction(l2_xyz, l2_points, d3, 0.14, 32, params["sa3"])
    l4_xyz, l4_points, fps4, d5 = _set_abstraction(l3_xyz, l3_points, d4, 0.18, 32, params["sa4"])
    l3_points = _feature_propagation(l3_points, l4_points, fps4, d4, params["fp4"])
    l2_points = _feature_propagation(l2_points, l3_points, fps3, d3, params["fp3"])
    l1_points = _feature_propagation(l1_points, l2_points, fps2, d2, params["fp2"])
    l0_points = _feature_propagation(None, l1_points, fps1, dists, params["fp1"])
    x = l0_points @ params["conv1"]["W"] + params["conv1"]["b"]
    mean = jnp.mean(x, axis=0, keepdims=True)
    var = jnp.var(x, axis=0, keepdims=True)
    x = (x - mean) / jnp.sqrt(var + 1e-5)
    x = jax.nn.relu(x)
    return x[None]

# --- scband reference (transcript-rebuilt; emitter-appended) ---
"""Pipeline reference for scband-get-model-49185965474291 (READ-ONLY COPY).

The authoritative reference and input builder live on the scoring server;
editing this copy changes nothing except your own understanding.
"""

import jax, jax.numpy as jnp
import numpy as np

N_POINTS = 10000
INCH = 64


def _mlp_params(key, cin, channels):
    layers = []
    for cout in channels:
        key, k1 = jax.random.split(key)
        W = jax.random.normal(k1, (cin, cout), dtype=jnp.float32) * (1.0 / np.sqrt(cin))
        layers.append({"W": W, "b": jnp.zeros((cout,), jnp.float32), "gamma": jnp.ones((cout,), jnp.float32), "beta": jnp.zeros((cout,), jnp.float32)})
        cin = cout
    return layers, key


def setup_inputs(seed: int = 0):
    key = jax.random.key(seed)
    k1, k2, key = jax.random.split(key, 3)
    vertices = jax.random.uniform(k1, (N_POINTS, 3), dtype=jnp.float32)
    normals = jax.random.normal(k2, (N_POINTS, 3), dtype=jnp.float32)
    normals = normals / (jnp.linalg.norm(normals, axis=-1, keepdims=True) + 1e-8)
    params = {}
    params["sa1"], key = _mlp_params(key, 6 + 3, [INCH, INCH, INCH * 2])
    params["sa2"], key = _mlp_params(key, INCH * 2 + 3, [INCH * 2, INCH * 2, INCH * 4])
    params["sa3"], key = _mlp_params(key, INCH * 4 + 3, [INCH * 4, INCH * 4, INCH * 8])
    params["sa4"], key = _mlp_params(key, INCH * 8 + 3, [INCH * 8, INCH * 8, INCH * 16])
    params["fp4"], key = _mlp_params(key, INCH * 24, [INCH * 12, INCH * 8])
    params["fp3"], key = _mlp_params(key, INCH * 12, [INCH * 8, INCH * 4])
    params["fp2"], key = _mlp_params(key, INCH * 6, [INCH * 4, INCH * 2])
    params["fp1"], key = _mlp_params(key, INCH * 2, [INCH * 2, INCH * 2, INCH])
    key, kc = jax.random.split(key)
    params["conv1"] = {"W": jax.random.normal(kc, (INCH, INCH), dtype=jnp.float32) * (1.0 / np.sqrt(INCH)), "b": jnp.zeros((INCH,), jnp.float32)}
    return {"vertices": vertices, "normals": normals, "params": params}


def square_distance(src, dst):
    return jnp.sum(src ** 2, -1)[:, None] + jnp.sum(dst ** 2, -1)[None, :] - 2.0 * (src @ dst.T)


def farthest_point_sample(dists, npoint):
    dists = jax.lax.stop_gradient(dists)
    N = dists.shape[0]

    def body(i, state):
        centroids, distance, farthest = state
        centroids = centroids.at[i].set(farthest)
        d = dists[farthest]
        distance = jnp.minimum(distance, d)
        farthest = jnp.argmax(distance).astype(jnp.int32)
        return centroids, distance, farthest

    init = (jnp.zeros((npoint,), jnp.int32), jnp.full((N,), 1e10, jnp.float32), jnp.int32(0))
    centroids, _, _ = jax.lax.fori_loop(0, npoint, body, init)
    return centroids


def batch_norm(x, gamma, beta, axes):
    mean = jnp.mean(x, axis=axes, keepdims=True)
    var = jnp.var(x, axis=axes, keepdims=True)
    return gamma * (x - mean) / jnp.sqrt(var + 1e-5) + beta


def set_abstraction(xyz, points, dists, radius, nsample, layers):
    N = xyz.shape[0]
    npoint = N // 4
    fps_idx = farthest_point_sample(dists, npoint)
    new_xyz = xyz[fps_idx]
    sqrdists = dists[fps_idx]
    group_idx = jnp.broadcast_to(jnp.arange(N), (npoint, N))
    group_idx = jnp.where(sqrdists > radius ** 2, N, group_idx)
    group_idx = jnp.sort(group_idx, axis=-1)[:, :nsample]
    first = group_idx[:, :1]
    group_idx = jnp.where(group_idx == N, first, group_idx)
    grouped_xyz = xyz[group_idx] - new_xyz[:, None, :]
    feat = jnp.concatenate([points[group_idx], grouped_xyz], axis=-1)
    for lyr in layers:
        feat = feat @ lyr["W"] + lyr["b"]
        feat = batch_norm(feat, lyr["gamma"], lyr["beta"], axes=(0, 1))
        feat = jax.nn.relu(feat)
    new_points = jnp.max(feat, axis=1)
    new_dists = dists[fps_idx][:, fps_idx]
    return new_xyz, new_points, fps_idx, new_dists


def feature_propagation(points1, points2, fps_idx, dists, layers):
    d = dists[:, fps_idx]
    neg_vals, idx = jax.lax.top_k(-d, 3)
    dist3 = -neg_vals
    recip = 1.0 / (dist3 + 1e-8)
    weight = recip / jnp.sum(recip, axis=-1, keepdims=True)
    interpolated = jnp.sum(points2[idx] * weight[..., None], axis=1)
    feat = interpolated if points1 is None else jnp.concatenate([points1, interpolated], axis=-1)
    for lyr in layers:
        feat = feat @ lyr["W"] + lyr["b"]
        feat = batch_norm(feat, lyr["gamma"], lyr["beta"], axes=(0,))
        feat = jax.nn.relu(feat)
    return feat


def reference(vertices, normals, params):
    dists = square_distance(vertices, vertices)
    l0_points = jnp.concatenate([vertices, normals], axis=-1)
    l1_xyz, l1_points, fps1, d2 = set_abstraction(vertices, l0_points, dists, 0.06, 32, params["sa1"])
    l2_xyz, l2_points, fps2, d3 = set_abstraction(l1_xyz, l1_points, d2, 0.1, 32, params["sa2"])
    l3_xyz, l3_points, fps3, d4 = set_abstraction(l2_xyz, l2_points, d3, 0.14, 32, params["sa3"])
    l4_xyz, l4_points, fps4, d5 = set_abstraction(l3_xyz, l3_points, d4, 0.18, 32, params["sa4"])
    l3_points = feature_propagation(l3_points, l4_points, fps4, d4, params["fp4"])
    l2_points = feature_propagation(l2_points, l3_points, fps3, d3, params["fp3"])
    l1_points = feature_propagation(l1_points, l2_points, fps2, d2, params["fp2"])
    l0_points = feature_propagation(None, l1_points, fps1, dists, params["fp1"])
    x = l0_points @ params["conv1"]["W"] + params["conv1"]["b"]
    mean = jnp.mean(x, axis=0, keepdims=True)
    var = jnp.var(x, axis=0, keepdims=True)
    x = (x - mean) / jnp.sqrt(var + 1e-5)
    x = jax.nn.relu(x)
    return x[None]

if __name__ == "__main__":
    import jax
    _d = setup_inputs()
    print(jax.jit(kernel)(*tuple(_d.values())))

</pallas_src>

<mosaic_0001>
module attributes {stable_mosaic.version = 14 : i64} {
  func.func @_dist_body(%arg0: i32, %arg1: i32, %arg2: memref<256x3xf32, #tpu.memory_space<vmem>>, %arg3: memref<3x2048xf32, #tpu.memory_space<vmem>>, %arg4: memref<256x1xf32, #tpu.memory_space<vmem>>, %arg5: memref<1x2048xf32, #tpu.memory_space<vmem>>, %arg6: memref<256x2048xf32, #tpu.memory_space<vmem>>) attributes {dimension_semantics = [#tpu.dimension_semantics<arbitrary>, #tpu.dimension_semantics<arbitrary>], iteration_bounds = array<i64: 40, 5>, scalar_prefetch = 0 : i64, scratch_operands = 0 : i64, tpu.core_type = #tpu.core_type<tc>, window_params = [{transform_indices = @transform_0, window_bounds = array<i64: 256, 3>}, {transform_indices = @transform_1, window_bounds = array<i64: 3, 2048>}, {transform_indices = @transform_2, window_bounds = array<i64: 256, 1>}, {transform_indices = @transform_3, window_bounds = array<i64: 1, 2048>}, {transform_indices = @transform_4, window_bounds = array<i64: 256, 2048>}]} {
    %get3A = arith.constant 0 : index
    %get3A_0 = arith.constant 0 : index
    %get3A_1 = vector.load %arg4[%get3A, %get3A_0] : memref<256x1xf32, #tpu.memory_space<vmem>>, vector<256x1xf32>
    %get3A_2 = arith.constant 0 : index
    %get3A_3 = arith.constant 0 : index
    %get3A_4 = vector.load %arg5[%get3A_2, %get3A_3] : memref<1x2048xf32, #tpu.memory_space<vmem>>, vector<1x2048xf32>
    %add3A = vector.broadcast %get3A_1 : vector<256x1xf32> to vector<256x2048xf32>
    %add3A_5 = vector.broadcast %get3A_4 : vector<1x2048xf32> to vector<256x2048xf32>
    %add3A_6 = arith.addf %add3A, %add3A_5 : vector<256x2048xf32>
    %get3A_7 = arith.constant 0 : index
    %get3A_8 = arith.constant 0 : index
    %get3A_9 = vector.load %arg2[%get3A_7, %get3A_8] : memref<256x3xf32, #tpu.memory_space<vmem>>, vector<256x3xf32>
    %get3A_10 = arith.constant 0 : index
    %get3A_11 = arith.constant 0 : index
    %get3A_12 = vector.load %arg3[%get3A_10, %get3A_11] : memref<3x2048xf32, #tpu.memory_space<vmem>>, vector<3x2048xf32>
    %dot_general3A = arith.constant dense<0.000000e+00> : vector<256x2048xf32>
    %dot_general3A_13 = tpu.matmul %get3A_9, %get3A_12, %dot_general3A {dimension_numbers = #tpu.dot_dimension_numbers<[1], [0], [0], [1], [0, 0, 1, 1], [], []>, transpose_lhs_hint = false} : vector<256x3xf32>, vector<3x2048xf32>, vector<256x2048xf32> -> vector<256x2048xf32>
    %mul3A = arith.constant 2.000000e+00 : f32
    %mul3A_14 = vector.broadcast %mul3A : f32 to vector<256x2048xf32>
    %mul3A_15 = arith.mulf %mul3A_14, %dot_general3A_13 : vector<256x2048xf32>
    %sub3A = arith.subf %add3A_6, %mul3A_15 : vector<256x2048xf32>
    %swap3A = arith.constant 0 : index
    %swap3A_16 = arith.constant 0 : index
    %swap3A_17 = vector.load %arg6[%swap3A, %swap3A_16] : memref<256x2048xf32, #tpu.memory_space<vmem>>, vector<256x2048xf32>
    tpu.vector_store %arg6[%swap3A, %swap3A_16], %sub3A {strides = array<i32>} : memref<256x2048xf32, #tpu.memory_space<vmem>>, vector<256x2048xf32>,
    return
  }
  func.func @transform_0(%arg0: i32, %arg1: i32) -> (i32, i32) {
    %c0_i32 = arith.constant 0 : i32
    %c0_i32_0 = arith.constant 0 : i32
    return %arg0, %c0_i32 : i32, i32
  }
  func.func @transform_1(%arg0: i32, %arg1: i32) -> (i32, i32) {
    %c0_i32 = arith.constant 0 : i32
    %c0_i32_0 = arith.constant 0 : i32
    return %c0_i32, %arg1 : i32, i32
  }
  func.func @transform_2(%arg0: i32, %arg1: i32) -> (i32, i32) {
    %c0_i32 = arith.constant 0 : i32
    %c0_i32_0 = arith.constant 0 : i32
    return %arg0, %c0_i32 : i32, i32
  }
  func.func @transform_3(%arg0: i32, %arg1: i32) -> (i32, i32) {
    %c0_i32 = arith.constant 0 : i32
    %c0_i32_0 = arith.constant 0 : i32
    return %c0_i32, %arg1 : i32, i32
  }
  func.func @transform_4(%arg0: i32, %arg1: i32) -> (i32, i32) {
    %c0_i32 = arith.constant 0 : i32
    return %arg0, %arg1 : i32, i32
  }
}

module attributes {stable_mosaic.version = 14 : i64} {
  func.func @_fps_body(%arg0: memref<10240x3xf32, #tpu.memory_space<vmem>>, %arg1: memref<3x10240xf32, #tpu.memory_space<vmem>>, %arg2: memref<1x10240xf32, #tpu.memory_space<vmem>>, %arg3: memref<10240x1xf32, #tpu.memory_space<vmem>>, %arg4: memref<1x1xi32, #tpu.memory_space<smem>>, %arg5: memref<2500x1xi32, #tpu.memory_space<vmem>>, %arg6: memref<1x10240xf32, #tpu.memory_space<vmem>>) attributes {dimension_semantics = [], scalar_prefetch = 0 : i64, scratch_operands = 1 : i64, tpu.core_type = #tpu.core_type<tc>} {
    %iota3A = tpu.iota {dimensions = array<i32: 1>} : vector<1x10240xi32>
    %get3A = arith.constant 0 : index
    %get3A_0 = arith.constant 0 : index
    %get3A_1 = memref.load %arg4[%get3A, %get3A_0] : memref<1x1xi32, #tpu.memory_space<smem>>
    %lt3A = vector.broadcast %get3A_1 : i32 to vector<1x10240xi32>
    %lt3A_2 = arith.cmpi slt, %iota3A, %lt3A : vector<1x10240xi32>
    %jit3A = arith.constant 1.000000e+10 : f32
    %jit3A_3 = arith.constant -1.000000e+00 : f32
    %broadcast_in_dim3A = vector.broadcast %jit3A : f32 to vector<1x10240xf32>
    %broadcast_in_dim3A_4 = vector.broadcast %jit3A_3 : f32 to vector<1x10240xf32>
    %select_n3A = arith.select %lt3A_2, %broadcast_in_dim3A, %broadcast_in_dim3A_4 : vector<1x10240xi1>, vector<1x10240xf32>
    %swap3A = arith.constant 0 : index
    %swap3A_5 = arith.constant 0 : index
    %swap3A_6 = vector.load %arg6[%swap3A, %swap3A_5] : memref<1x10240xf32, #tpu.memory_space<vmem>>, vector<1x10240xf32>
    tpu.vector_store %arg6[%swap3A, %swap3A_5], %select_n3A {strides = array<i32>} : memref<1x10240xf32, #tpu.memory_space<vmem>>, vector<1x10240xf32>,
    %scan3A = arith.constant 0 : i32
    %scan3A_7 = arith.constant 0 : i32
    %scan3A_8 = arith.constant 2500 : i32
    %scan3A_9 = arith.addi %scan3A_7, %scan3A_8 : i32
    %scan3A_10 = arith.constant 1 : i32
    %scan3A_11 = scf.for %scan3A_13 = %scan3A_7 to %scan3A_9 step %scan3A_10 iter_args(%scan3A_14 = %scan3A) -> (i32)  : i32 {
      %broadcast_in_dim3A_15 = vector.broadcast %scan3A_14 : i32 to vector<1x1xi32>
      %swap3A_16 = arith.index_cast %scan3A_13 : i32 to index
      %swap3A_17 = arith.constant 0 : index
      %swap3A_18 = vector.load %arg5[%swap3A_16, %swap3A_17] : memref<2500x1xi32, #tpu.memory_space<vmem>>, vector<1x1xi32>
      tpu.vector_store %arg5[%swap3A_16, %swap3A_17], %broadcast_in_dim3A_15 {strides = array<i32>} : memref<2500x1xi32, #tpu.memory_space<vmem>>, vector<1x1xi32>,
      %get3A_19 = arith.index_cast %scan3A_14 : i32 to index
      %get3A_20 = arith.constant 0 : index
      %get3A_21 = vector.load %arg0[%get3A_19, %get3A_20] : memref<10240x3xf32, #tpu.memory_space<vmem>>, vector<1x3xf32>
      %get3A_22 = arith.index_cast %scan3A_14 : i32 to index
      %get3A_23 = arith.constant 0 : index
      %get3A_24 = vector.load %arg3[%get3A_22, %get3A_23] : memref<10240x1xf32, #tpu.memory_space<vmem>>, vector<1x1xf32>
      %squeeze3A = vector.extract %get3A_24[0, 0] : f32 from vector<1x1xf32>
      %broadcast_in_dim3A_25 = vector.shape_cast %get3A_21 : vector<1x3xf32> to vector<1x3xf32>
      %broadcast_in_dim3A_26 = vector.broadcast %broadcast_in_dim3A_25 : vector<1x3xf32> to vector<8x3xf32>
      %get3A_27 = arith.constant 0 : index
      %get3A_28 = arith.constant 0 : index
      %get3A_29 = vector.load %arg1[%get3A_27, %get3A_28] : memref<3x10240xf32, #tpu.memory_space<vmem>>, vector<3x10240xf32>
      %dot_general3A = arith.constant dense<0.000000e+00> : vector<8x10240xf32>
      %dot_general3A_30 = tpu.matmul %broadcast_in_dim3A_26, %get3A_29, %dot_general3A {dimension_numbers = #tpu.dot_dimension_numbers<[1], [0], [0], [1], [0, 0, 1, 1], [], []>, transpose_lhs_hint = false} : vector<8x3xf32>, vector<3x10240xf32>, vector<8x10240xf32> -> vector<8x10240xf32>
      %slice3A = vector.extract_strided_slice %dot_general3A_30 {offsets = [0, 0], sizes = [1, 10240], strides = [1, 1]} : vector<8x10240xf32> to vector<1x10240xf32>
      %get3A_31 = arith.constant 0 : index
      %get3A_32 = arith.constant 0 : index
      %get3A_33 = vector.load %arg2[%get3A_31, %get3A_32] : memref<1x10240xf32, #tpu.memory_space<vmem>>, vector<1x10240xf32>
      %add3A = vector.broadcast %squeeze3A : f32 to vector<1x10240xf32>
      %add3A_34 = arith.addf %add3A, %get3A_33 : vector<1x10240xf32>
      %mul3A = arith.constant 2.000000e+00 : f32
      %mul3A_35 = vector.broadcast %mul3A : f32 to vector<1x10240xf32>
      %mul3A_36 = arith.mulf %mul3A_35, %slice3A : vector<1x10240xf32>
      %sub3A = arith.subf %add3A_34, %mul3A_36 : vector<1x10240xf32>
      %get3A_37 = arith.constant 0 : index
      %get3A_38 = arith.constant 0 : index
      %get3A_39 = vector.load %arg6[%get3A_37, %get3A_38] : memref<1x10240xf32, #tpu.memory_space<vmem>>, vector<1x10240xf32>
      %min3A = arith.minimumf %get3A_39, %sub3A : vector<1x10240xf32>
      %swap3A_40 = arith.constant 0 : index
      %swap3A_41 = arith.constant 0 : index
      %swap3A_42 = vector.load %arg6[%swap3A_40, %swap3A_41] : memref<1x10240xf32, #tpu.memory_space<vmem>>, vector<1x10240xf32>
      tpu.vector_store %arg6[%swap3A_40, %swap3A_41], %min3A {strides = array<i32>} : memref<1x10240xf32, #tpu.memory_space<vmem>>, vector<1x10240xf32>,
      %reduce_max3A = vector.shape_cast %min3A : vector<1x10240xf32> to vector<1x1x10240xf32>
      %reduce_max3A_43 = arith.constant dense<0xFF800000> : vector<1xf32>
      %reduce_max3A_44 = vector.multi_reduction <maximumf>, %reduce_max3A, %reduce_max3A_43 [1, 2] : vector<1x1x10240xf32> to vector<1xf32>
      %reduce_max3A_45 = vector.shape_cast %reduce_max3A_44 : vector<1xf32> to vector<1x1x1xf32>
      %reduce_max3A_46 = vector.extract %reduce_max3A_45[0, 0, 0] : f32 from vector<1x1x1xf32>
      %eq3A = vector.broadcast %reduce_max3A_46 : f32 to vector<1x10240xf32>
      %eq3A_47 = arith.cmpf oeq, %min3A, %eq3A : vector<1x10240xf32>
      %jit3A_48 = arith.constant 1073741824 : i32
      %broadcast_in_dim3A_49 = vector.broadcast %jit3A_48 : i32 to vector<1x10240xi32>
      %select_n3A_50 = arith.select %eq3A_47, %iota3A, %broadcast_in_dim3A_49 : vector<1x10240xi1>, vector<1x10240xi32>
      %reduce_min3A = vector.shape_cast %select_n3A_50 : vector<1x10240xi32> to vector<1x1x10240xi32>
      %reduce_min3A_51 = arith.constant dense<2147483647> : vector<1xi32>
      %reduce_min3A_52 = vector.multi_reduction <minsi>, %reduce_min3A, %reduce_min3A_51 [1, 2] : vector<1x1x10240xi32> to vector<1xi32>
      %reduce_min3A_53 = vector.shape_cast %reduce_min3A_52 : vector<1xi32> to vector<1x1x1xi32>
      %reduce_min3A_54 = vector.extract %reduce_min3A_53[0, 0, 0] : i32 from vector<1x1x1xi32>
      scf.yield %reduce_min3A_54 : i32
    }
    %scan3A_12 = arith.constant 2500 : i32
    return
  }
}

module attributes {stable_mosaic.version = 14 : i64} {
  func.func @_fps_body(%arg0: memref<2560x3xf32, #tpu.memory_space<vmem>>, %arg1: memref<3x2560xf32, #tpu.memory_space<vmem>>, %arg2: memref<1x2560xf32, #tpu.memory_space<vmem>>, %arg3: memref<2560x1xf32, #tpu.memory_space<vmem>>, %arg4: memref<1x1xi32, #tpu.memory_space<smem>>, %arg5: memref<625x1xi32, #tpu.memory_space<vmem>>, %arg6: memref<1x2560xf32, #tpu.memory_space<vmem>>) attributes {dimension_semantics = [], scalar_prefetch = 0 : i64, scratch_operands = 1 : i64, tpu.core_type = #tpu.core_type<tc>} {
    %iota3A = tpu.iota {dimensions = array<i32: 1>} : vector<1x2560xi32>
    %get3A = arith.constant 0 : index
    %get3A_0 = arith.constant 0 : index
    %get3A_1 = memref.load %arg4[%get3A, %get3A_0] : memref<1x1xi32, #tpu.memory_space<smem>>
    %lt3A = vector.broadcast %get3A_1 : i32 to vector<1x2560xi32>
    %lt3A_2 = arith.cmpi slt, %iota3A, %lt3A : vector<1x2560xi32>
    %jit3A = arith.constant 1.000000e+10 : f32
    %jit3A_3 = arith.constant -1.000000e+00 : f32
    %broadcast_in_dim3A = vector.broadcast %jit3A : f32 to vector<1x2560xf32>
    %broadcast_in_dim3A_4 = vector.broadcast %jit3A_3 : f32 to vector<1x2560xf32>
    %select_n3A = arith.select %lt3A_2, %broadcast_in_dim3A, %broadcast_in_dim3A_4 : vector<1x2560xi1>, vector<1x2560xf32>
    %swap3A = arith.constant 0 : index
    %swap3A_5 = arith.constant 0 : index
    %swap3A_6 = vector.load %arg6[%swap3A, %swap3A_5] : memref<1x2560xf32, #tpu.memory_space<vmem>>, vector<1x2560xf32>
    tpu.vector_store %arg6[%swap3A, %swap3A_5], %select_n3A {strides = array<i32>} : memref<1x2560xf32, #tpu.memory_space<vmem>>, vector<1x2560xf32>,
    %scan3A = arith.constant 0 : i32
    %scan3A_7 = arith.constant 0 : i32
    %scan3A_8 = arith.constant 625 : i32
    %scan3A_9 = arith.addi %scan3A_7, %scan3A_8 : i32
    %scan3A_10 = arith.constant 1 : i32
    %scan3A_11 = scf.for %scan3A_13 = %scan3A_7 to %scan3A_9 step %scan3A_10 iter_args(%scan3A_14 = %scan3A) -> (i32)  : i32 {
      %broadcast_in_dim3A_15 = vector.broadcast %scan3A_14 : i32 to vector<1x1xi32>
      %swap3A_16 = arith.index_cast %scan3A_13 : i32 to index
      %swap3A_17 = arith.constant 0 : index
      %swap3A_18 = vector.load %arg5[%swap3A_16, %swap3A_17] : memref<625x1xi32, #tpu.memory_space<vmem>>, vector<1x1xi32>
      tpu.vector_store %arg5[%swap3A_16, %swap3A_17], %broadcast_in_dim3A_15 {strides = array<i32>} : memref<625x1xi32, #tpu.memory_space<vmem>>, vector<1x1xi32>,
      %get3A_19 = arith.index_cast %scan3A_14 : i32 to index
      %get3A_20 = arith.constant 0 : index
      %get3A_21 = vector.load %arg0[%get3A_19, %get3A_20] : memref<2560x3xf32, #tpu.memory_space<vmem>>, vector<1x3xf32>
      %get3A_22 = arith.index_cast %scan3A_14 : i32 to index
      %get3A_23 = arith.constant 0 : index
      %get3A_24 = vector.load %arg3[%get3A_22, %get3A_23] : memref<2560x1xf32, #tpu.memory_space<vmem>>, vector<1x1xf32>
      %squeeze3A = vector.extract %get3A_24[0, 0] : f32 from vector<1x1xf32>
      %broadcast_in_dim3A_25 = vector.shape_cast %get3A_21 : vector<1x3xf32> to vector<1x3xf32>
      %broadcast_in_dim3A_26 = vector.broadcast %broadcast_in_dim3A_25 : vector<1x3xf32> to vector<8x3xf32>
      %get3A_27 = arith.constant 0 : index
      %get3A_28 = arith.constant 0 : index
      %get3A_29 = vector.load %arg1[%get3A_27, %get3A_28] : memref<3x2560xf32, #tpu.memory_space<vmem>>, vector<3x2560xf32>
      %dot_general3A = arith.constant dense<0.000000e+00> : vector<8x2560xf32>
      %dot_general3A_30 = tpu.matmul %broadcast_in_dim3A_26, %get3A_29, %dot_general3A {dimension_numbers = #tpu.dot_dimension_numbers<[1], [0], [0], [1], [0, 0, 1, 1], [], []>, transpose_lhs_hint = false} : vector<8x3xf32>, vector<3x2560xf32>, vector<8x2560xf32> -> vector<8x2560xf32>
      %slice3A = vector.extract_strided_slice %dot_general3A_30 {offsets = [0, 0], sizes = [1, 2560], strides = [1, 1]} : vector<8x2560xf32> to vector<1x2560xf32>
      %get3A_31 = arith.constant 0 : index
      %get3A_32 = arith.constant 0 : index
      %get3A_33 = vector.load %arg2[%get3A_31, %get3A_32] : memref<1x2560xf32, #tpu.memory_space<vmem>>, vector<1x2560xf32>
      %add3A = vector.broadcast %squeeze3A : f32 to vector<1x2560xf32>
      %add3A_34 = arith.addf %add3A, %get3A_33 : vector<1x2560xf32>
      %mul3A = arith.constant 2.000000e+00 : f32
      %mul3A_35 = vector.broadcast %mul3A : f32 to vector<1x2560xf32>
      %mul3A_36 = arith.mulf %mul3A_35, %slice3A : vector<1x2560xf32>
      %sub3A = arith.subf %add3A_34, %mul3A_36 : vector<1x2560xf32>
      %get3A_37 = arith.constant 0 : index
      %get3A_38 = arith.constant 0 : index
      %get3A_39 = vector.load %arg6[%get3A_37, %get3A_38] : memref<1x2560xf32, #tpu.memory_space<vmem>>, vector<1x2560xf32>
      %min3A = arith.minimumf %get3A_39, %sub3A : vector<1x2560xf32>
      %swap3A_40 = arith.constant 0 : index
      %swap3A_41 = arith.constant 0 : index
      %swap3A_42 = vector.load %arg6[%swap3A_40, %swap3A_41] : memref<1x2560xf32, #tpu.memory_space<vmem>>, vector<1x2560xf32>
      tpu.vector_store %arg6[%swap3A_40, %swap3A_41], %min3A {strides = array<i32>} : memref<1x2560xf32, #tpu.memory_space<vmem>>, vector<1x2560xf32>,
      %reduce_max3A = vector.shape_cast %min3A : vector<1x2560xf32> to vector<1x1x2560xf32>
      %reduce_max3A_43 = arith.constant dense<0xFF800000> : vector<1xf32>
      %reduce_max3A_44 = vector.multi_reduction <maximumf>, %reduce_max3A, %reduce_max3A_43 [1, 2] : vector<1x1x2560xf32> to vector<1xf32>
      %reduce_max3A_45 = vector.shape_cast %reduce_max3A_44 : vector<1xf32> to vector<1x1x1xf32>
      %reduce_max3A_46 = vector.extract %reduce_max3A_45[0, 0, 0] : f32 from vector<1x1x1xf32>
      %eq3A = vector.broadcast %reduce_max3A_46 : f32 to vector<1x2560xf32>
      %eq3A_47 = arith.cmpf oeq, %min3A, %eq3A : vector<1x2560xf32>
      %jit3A_48 = arith.constant 1073741824 : i32
      %broadcast_in_dim3A_49 = vector.broadcast %jit3A_48 : i32 to vector<1x2560xi32>
      %select_n3A_50 = arith.select %eq3A_47, %iota3A, %broadcast_in_dim3A_49 : vector<1x2560xi1>, vector<1x2560xi32>
      %reduce_min3A = vector.shape_cast %select_n3A_50 : vector<1x2560xi32> to vector<1x1x2560xi32>
      %reduce_min3A_51 = arith.constant dense<2147483647> : vector<1xi32>
      %reduce_min3A_52 = vector.multi_reduction <minsi>, %reduce_min3A, %reduce_min3A_51 [1, 2] : vector<1x1x2560xi32> to vector<1xi32>
      %reduce_min3A_53 = vector.shape_cast %reduce_min3A_52 : vector<1xi32> to vector<1x1x1xi32>
      %reduce_min3A_54 = vector.extract %reduce_min3A_53[0, 0, 0] : i32 from vector<1x1x1xi32>
      scf.yield %reduce_min3A_54 : i32
    }
    %scan3A_12 = arith.constant 625 : i32
    return
  }
}

module attributes {stable_mosaic.version = 14 : i64} {
  func.func @_fps_body(%arg0: memref<768x3xf32, #tpu.memory_space<vmem>>, %arg1: memref<3x768xf32, #tpu.memory_space<vmem>>, %arg2: memref<1x768xf32, #tpu.memory_space<vmem>>, %arg3: memref<768x1xf32, #tpu.memory_space<vmem>>, %arg4: memref<1x1xi32, #tpu.memory_space<smem>>, %arg5: memref<156x1xi32, #tpu.memory_space<vmem>>, %arg6: memref<1x768xf32, #tpu.memory_space<vmem>>) attributes {dimension_semantics = [], scalar_prefetch = 0 : i64, scratch_operands = 1 : i64, tpu.core_type = #tpu.core_type<tc>} {
    %iota3A = tpu.iota {dimensions = array<i32: 1>} : vector<1x768xi32>
    %get3A = arith.constant 0 : index
    %get3A_0 = arith.constant 0 : index
    %get3A_1 = memref.load %arg4[%get3A, %get3A_0] : memref<1x1xi32, #tpu.memory_space<smem>>
    %lt3A = vector.broadcast %get3A_1 : i32 to vector<1x768xi32>
    %lt3A_2 = arith.cmpi slt, %iota3A, %lt3A : vector<1x768xi32>
    %jit3A = arith.constant 1.000000e+10 : f32
    %jit3A_3 = arith.constant -1.000000e+00 : f32
    %broadcast_in_dim3A = vector.broadcast %jit3A : f32 to vector<1x768xf32>
    %broadcast_in_dim3A_4 = vector.broadcast %jit3A_3 : f32 to vector<1x768xf32>
    %select_n3A = arith.select %lt3A_2, %broadcast_in_dim3A, %broadcast_in_dim3A_4 : vector<1x768xi1>, vector<1x768xf32>
    %swap3A = arith.constant 0 : index
    %swap3A_5 = arith.constant 0 : index
    %swap3A_6 = vector.load %arg6[%swap3A, %swap3A_5] : memref<1x768xf32, #tpu.memory_space<vmem>>, vector<1x768xf32>
    tpu.vector_store %arg6[%swap3A, %swap3A_5], %select_n3A {strides = array<i32>} : memref<1x768xf32, #tpu.memory_space<vmem>>, vector<1x768xf32>,
    %scan3A = arith.constant 0 : i32
    %scan3A_7 = arith.constant 0 : i32
    %scan3A_8 = arith.constant 156 : i32
    %scan3A_9 = arith.addi %scan3A_7, %scan3A_8 : i32
    %scan3A_10 = arith.constant 1 : i32
    %scan3A_11 = scf.for %scan3A_13 = %scan3A_7 to %scan3A_9 step %scan3A_10 iter_args(%scan3A_14 = %scan3A) -> (i32)  : i32 {
      %broadcast_in_dim3A_15 = vector.broadcast %scan3A_14 : i32 to vector<1x1xi32>
      %swap3A_16 = arith.index_cast %scan3A_13 : i32 to index
      %swap3A_17 = arith.constant 0 : index
      %swap3A_18 = vector.load %arg5[%swap3A_16, %swap3A_17] : memref<156x1xi32, #tpu.memory_space<vmem>>, vector<1x1xi32>
      tpu.vector_store %arg5[%swap3A_16, %swap3A_17], %broadcast_in_dim3A_15 {strides = array<i32>} : memref<156x1xi32, #tpu.memory_space<vmem>>, vector<1x1xi32>,
      %get3A_19 = arith.index_cast %scan3A_14 : i32 to index
      %get3A_20 = arith.constant 0 : index
      %get3A_21 = vector.load %arg0[%get3A_19, %get3A_20] : memref<768x3xf32, #tpu.memory_space<vmem>>, vector<1x3xf32>
      %get3A_22 = arith.index_cast %scan3A_14 : i32 to index
      %get3A_23 = arith.constant 0 : index
      %get3A_24 = vector.load %arg3[%get3A_22, %get3A_23] : memref<768x1xf32, #tpu.memory_space<vmem>>, vector<1x1xf32>
      %squeeze3A = vector.extract %get3A_24[0, 0] : f32 from vector<1x1xf32>
      %broadcast_in_dim3A_25 = vector.shape_cast %get3A_21 : vector<1x3xf32> to vector<1x3xf32>
      %broadcast_in_dim3A_26 = vector.broadcast %broadcast_in_dim3A_25 : vector<1x3xf32> to vector<8x3xf32>
      %get3A_27 = arith.constant 0 : index
      %get3A_28 = arith.constant 0 : index
      %get3A_29 = vector.load %arg1[%get3A_27, %get3A_28] : memref<3x768xf32, #tpu.memory_space<vmem>>, vector<3x768xf32>
      %dot_general3A = arith.constant dense<0.000000e+00> : vector<8x768xf32>
      %dot_general3A_30 = tpu.matmul %broadcast_in_dim3A_26, %get3A_29, %dot_general3A {dimension_numbers = #tpu.dot_dimension_numbers<[1], [0], [0], [1], [0, 0, 1, 1], [], []>, transpose_lhs_hint = false} : vector<8x3xf32>, vector<3x768xf32>, vector<8x768xf32> -> vector<8x768xf32>
      %slice3A = vector.extract_strided_slice %dot_general3A_30 {offsets = [0, 0], sizes = [1, 768], strides = [1, 1]} : vector<8x768xf32> to vector<1x768xf32>
      %get3A_31 = arith.constant 0 : index
      %get3A_32 = arith.constant 0 : index
      %get3A_33 = vector.load %arg2[%get3A_31, %get3A_32] : memref<1x768xf32, #tpu.memory_space<vmem>>, vector<1x768xf32>
      %add3A = vector.broadcast %squeeze3A : f32 to vector<1x768xf32>
      %add3A_34 = arith.addf %add3A, %get3A_33 : vector<1x768xf32>
      %mul3A = arith.constant 2.000000e+00 : f32
      %mul3A_35 = vector.broadcast %mul3A : f32 to vector<1x768xf32>
      %mul3A_36 = arith.mulf %mul3A_35, %slice3A : vector<1x768xf32>
      %sub3A = arith.subf %add3A_34, %mul3A_36 : vector<1x768xf32>
      %get3A_37 = arith.constant 0 : index
      %get3A_38 = arith.constant 0 : index
      %get3A_39 = vector.load %arg6[%get3A_37, %get3A_38] : memref<1x768xf32, #tpu.memory_space<vmem>>, vector<1x768xf32>
      %min3A = arith.minimumf %get3A_39, %sub3A : vector<1x768xf32>
      %swap3A_40 = arith.constant 0 : index
      %swap3A_41 = arith.constant 0 : index
      %swap3A_42 = vector.load %arg6[%swap3A_40, %swap3A_41] : memref<1x768xf32, #tpu.memory_space<vmem>>, vector<1x768xf32>
      tpu.vector_store %arg6[%swap3A_40, %swap3A_41], %min3A {strides = array<i32>} : memref<1x768xf32, #tpu.memory_space<vmem>>, vector<1x768xf32>,
      %reduce_max3A = vector.shape_cast %min3A : vector<1x768xf32> to vector<1x1x768xf32>
      %reduce_max3A_43 = arith.constant dense<0xFF800000> : vector<1xf32>
      %reduce_max3A_44 = vector.multi_reduction <maximumf>, %reduce_max3A, %reduce_max3A_43 [1, 2] : vector<1x1x768xf32> to vector<1xf32>
      %reduce_max3A_45 = vector.shape_cast %reduce_max3A_44 : vector<1xf32> to vector<1x1x1xf32>
      %reduce_max3A_46 = vector.extract %reduce_max3A_45[0, 0, 0] : f32 from vector<1x1x1xf32>
      %eq3A = vector.broadcast %reduce_max3A_46 : f32 to vector<1x768xf32>
      %eq3A_47 = arith.cmpf oeq, %min3A, %eq3A : vector<1x768xf32>
      %jit3A_48 = arith.constant 1073741824 : i32
      %broadcast_in_dim3A_49 = vector.broadcast %jit3A_48 : i32 to vector<1x768xi32>
      %select_n3A_50 = arith.select %eq3A_47, %iota3A, %broadcast_in_dim3A_49 : vector<1x768xi1>, vector<1x768xi32>
      %reduce_min3A = vector.shape_cast %select_n3A_50 : vector<1x768xi32> to vector<1x1x768xi32>
      %reduce_min3A_51 = arith.constant dense<2147483647> : vector<1xi32>
      %reduce_min3A_52 = vector.multi_reduction <minsi>, %reduce_min3A, %reduce_min3A_51 [1, 2] : vector<1x1x768xi32> to vector<1xi32>
      %reduce_min3A_53 = vector.shape_cast %reduce_min3A_52 : vector<1xi32> to vector<1x1x1xi32>
      %reduce_min3A_54 = vector.extract %reduce_min3A_53[0, 0, 0] : i32 from vector<1x1x1xi32>
      scf.yield %reduce_min3A_54 : i32
    }
    %scan3A_12 = arith.constant 156 : i32
    return
  }
}

module attributes {stable_mosaic.version = 14 : i64} {
  func.func @_fps_body(%arg0: memref<256x3xf32, #tpu.memory_space<vmem>>, %arg1: memref<3x256xf32, #tpu.memory_space<vmem>>, %arg2: memref<1x256xf32, #tpu.memory_space<vmem>>, %arg3: memref<256x1xf32, #tpu.memory_space<vmem>>, %arg4: memref<1x1xi32, #tpu.memory_space<smem>>, %arg5: memref<39x1xi32, #tpu.memory_space<vmem>>, %arg6: memref<1x256xf32, #tpu.memory_space<vmem>>) attributes {dimension_semantics = [], scalar_prefetch = 0 : i64, scratch_operands = 1 : i64, tpu.core_type = #tpu.core_type<tc>} {
    %iota3A = tpu.iota {dimensions = array<i32: 1>} : vector<1x256xi32>
    %get3A = arith.constant 0 : index
    %get3A_0 = arith.constant 0 : index
    %get3A_1 = memref.load %arg4[%get3A, %get3A_0] : memref<1x1xi32, #tpu.memory_space<smem>>
    %lt3A = vector.broadcast %get3A_1 : i32 to vector<1x256xi32>
    %lt3A_2 = arith.cmpi slt, %iota3A, %lt3A : vector<1x256xi32>
    %jit3A = arith.constant 1.000000e+10 : f32
    %jit3A_3 = arith.constant -1.000000e+00 : f32
    %broadcast_in_dim3A = vector.broadcast %jit3A : f32 to vector<1x256xf32>
    %broadcast_in_dim3A_4 = vector.broadcast %jit3A_3 : f32 to vector<1x256xf32>
    %select_n3A = arith.select %lt3A_2, %broadcast_in_dim3A, %broadcast_in_dim3A_4 : vector<1x256xi1>, vector<1x256xf32>
    %swap3A = arith.constant 0 : index
    %swap3A_5 = arith.constant 0 : index
    %swap3A_6 = vector.load %arg6[%swap3A, %swap3A_5] : memref<1x256xf32, #tpu.memory_space<vmem>>, vector<1x256xf32>
    tpu.vector_store %arg6[%swap3A, %swap3A_5], %select_n3A {strides = array<i32>} : memref<1x256xf32, #tpu.memory_space<vmem>>, vector<1x256xf32>,
    %scan3A = arith.constant 0 : i32
    %scan3A_7 = arith.constant 0 : i32
    %scan3A_8 = arith.constant 39 : i32
    %scan3A_9 = arith.addi %scan3A_7, %scan3A_8 : i32
    %scan3A_10 = arith.constant 1 : i32
    %scan3A_11 = scf.for %scan3A_13 = %scan3A_7 to %scan3A_9 step %scan3A_10 iter_args(%scan3A_14 = %scan3A) -> (i32)  : i32 {
      %broadcast_in_dim3A_15 = vector.broadcast %scan3A_14 : i32 to vector<1x1xi32>
      %swap3A_16 = arith.index_cast %scan3A_13 : i32 to index
      %swap3A_17 = arith.constant 0 : index
      %swap3A_18 = vector.load %arg5[%swap3A_16, %swap3A_17] : memref<39x1xi32, #tpu.memory_space<vmem>>, vector<1x1xi32>
      tpu.vector_store %arg5[%swap3A_16, %swap3A_17], %broadcast_in_dim3A_15 {strides = array<i32>} : memref<39x1xi32, #tpu.memory_space<vmem>>, vector<1x1xi32>,
      %get3A_19 = arith.index_cast %scan3A_14 : i32 to index
      %get3A_20 = arith.constant 0 : index
      %get3A_21 = vector.load %arg0[%get3A_19, %get3A_20] : memref<256x3xf32, #tpu.memory_space<vmem>>, vector<1x3xf32>
      %get3A_22 = arith.index_cast %scan3A_14 : i32 to index
      %get3A_23 = arith.constant 0 : index
      %get3A_24 = vector.load %arg3[%get3A_22, %get3A_23] : memref<256x1xf32, #tpu.memory_space<vmem>>, vector<1x1xf32>
      %squeeze3A = vector.extract %get3A_24[0, 0] : f32 from vector<1x1xf32>
      %broadcast_in_dim3A_25 = vector.shape_cast %get3A_21 : vector<1x3xf32> to vector<1x3xf32>
      %broadcast_in_dim3A_26 = vector.broadcast %broadcast_in_dim3A_25 : vector<1x3xf32> to vector<8x3xf32>
      %get3A_27 = arith.constant 0 : index
      %get3A_28 = arith.constant 0 : index
      %get3A_29 = vector.load %arg1[%get3A_27, %get3A_28] : memref<3x256xf32, #tpu.memory_space<vmem>>, vector<3x256xf32>
      %dot_general3A = arith.constant dense<0.000000e+00> : vector<8x256xf32>
      %dot_general3A_30 = tpu.matmul %broadcast_in_dim3A_26, %get3A_29, %dot_general3A {dimension_numbers = #tpu.dot_dimension_numbers<[1], [0], [0], [1], [0, 0, 1, 1], [], []>, transpose_lhs_hint = false} : vector<8x3xf32>, vector<3x256xf32>, vector<8x256xf32> -> vector<8x256xf32>
      %slice3A = vector.extract_strided_slice %dot_general3A_30 {offsets = [0, 0], sizes = [1, 256], strides = [1, 1]} : vector<8x256xf32> to vector<1x256xf32>
      %get3A_31 = arith.constant 0 : index
      %get3A_32 = arith.constant 0 : index
      %get3A_33 = vector.load %arg2[%get3A_31, %get3A_32] : memref<1x256xf32, #tpu.memory_space<vmem>>, vector<1x256xf32>
      %add3A = vector.broadcast %squeeze3A : f32 to vector<1x256xf32>
      %add3A_34 = arith.addf %add3A, %get3A_33 : vector<1x256xf32>
      %mul3A = arith.constant 2.000000e+00 : f32
      %mul3A_35 = vector.broadcast %mul3A : f32 to vector<1x256xf32>
      %mul3A_36 = arith.mulf %mul3A_35, %slice3A : vector<1x256xf32>
      %sub3A = arith.subf %add3A_34, %mul3A_36 : vector<1x256xf32>
      %get3A_37 = arith.constant 0 : index
      %get3A_38 = arith.constant 0 : index
      %get3A_39 = vector.load %arg6[%get3A_37, %get3A_38] : memref<1x256xf32, #tpu.memory_space<vmem>>, vector<1x256xf32>
      %min3A = arith.minimumf %get3A_39, %sub3A : vector<1x256xf32>
      %swap3A_40 = arith.constant 0 : index
      %swap3A_41 = arith.constant 0 : index
      %swap3A_42 = vector.load %arg6[%swap3A_40, %swap3A_41] : memref<1x256xf32, #tpu.memory_space<vmem>>, vector<1x256xf32>
      tpu.vector_store %arg6[%swap3A_40, %swap3A_41], %min3A {strides = array<i32>} : memref<1x256xf32, #tpu.memory_space<vmem>>, vector<1x256xf32>,
      %reduce_max3A = vector.shape_cast %min3A : vector<1x256xf32> to vector<1x1x256xf32>
      %reduce_max3A_43 = arith.constant dense<0xFF800000> : vector<1xf32>
      %reduce_max3A_44 = vector.multi_reduction <maximumf>, %reduce_max3A, %reduce_max3A_43 [1, 2] : vector<1x1x256xf32> to vector<1xf32>
      %reduce_max3A_45 = vector.shape_cast %reduce_max3A_44 : vector<1xf32> to vector<1x1x1xf32>
      %reduce_max3A_46 = vector.extract %reduce_max3A_45[0, 0, 0] : f32 from vector<1x1x1xf32>
      %eq3A = vector.broadcast %reduce_max3A_46 : f32 to vector<1x256xf32>
      %eq3A_47 = arith.cmpf oeq, %min3A, %eq3A : vector<1x256xf32>
      %jit3A_48 = arith.constant 1073741824 : i32
      %broadcast_in_dim3A_49 = vector.broadcast %jit3A_48 : i32 to vector<1x256xi32>
      %select_n3A_50 = arith.select %eq3A_47, %iota3A, %broadcast_in_dim3A_49 : vector<1x256xi1>, vector<1x256xi32>
      %reduce_min3A = vector.shape_cast %select_n3A_50 : vector<1x256xi32> to vector<1x1x256xi32>
      %reduce_min3A_51 = arith.constant dense<2147483647> : vector<1xi32>
      %reduce_min3A_52 = vector.multi_reduction <minsi>, %reduce_min3A, %reduce_min3A_51 [1, 2] : vector<1x1x256xi32> to vector<1xi32>
      %reduce_min3A_53 = vector.shape_cast %reduce_min3A_52 : vector<1xi32> to vector<1x1x1xi32>
      %reduce_min3A_54 = vector.extract %reduce_min3A_53[0, 0, 0] : i32 from vector<1x1x1xi32>
      scf.yield %reduce_min3A_54 : i32
    }
    %scan3A_12 = arith.constant 39 : i32
    return
  }
}

</mosaic_0001>

<sc_bundles>
// kernel: sparse-core-data-format-call.1.cloned.1.call-start
scs
called_computation.1_lowered:
.L_overlay_start_0:
0x0: {  	s1 =	sld [smem:$0x3FD9]  }
0x1: {  	s2 =	sld [smem:$0x3FFE];
	_ =	sdelay $0x1  }
0x2: {  	s3 =	srdreg.scid  }
0x3: {  	s0 =	sand.u32 $0x1, s3  }
0x4: {  	s17 =	sshll.u32 s0, $0xA;
	s1 =	sadd.s32 s2, s1  }
0x5: {  	s1 =	sadd.s32 s1, s17  }
0x6: {  	[smem:$0x3F70] =	sst s1  }
0x7: {  	_ = 	snop  }
0x8: {  	(tm) =	ssettm $0x1  }
0x9: {  	s18 =	sld [smem:$0x3FFB];
	_ =	sdelay $0x3  }
0xa: {  	_ =	strace s18  }
0xb: {  	s1 =	sld [smem:$0x3FFC];
	_ =	sdelay $0x3  }
0xc: {  	_ =	strace s1  }
0xd: {  	s1 =	sld [smem:$0x3FFD];
	_ =	sdelay $0x3  }
0xe: {  	_ =	strace s1  }
0xf: {  	_ =	strace $0x8FFFFFFF  }
0x10: {  	s19 =	sld [smem:$0x3FDB];
	_ =	sdelay $0x1  }
0x11: {  	s20 =	simm.s32 $_scs_section_size  }
0x12: {  	s4 =	simm.s32 $_size__tile_overlayer_lowered;
	s5 =	simm.s32 $_tile_overlayer_lowered  }
0x13: {  	s23 =	simm.s32 $0x1BFF;
	s22 =	sshll.u32 s5, $0x1;
	s1 =	sadd.s32 s20, s19  }
0x14: {  	s6 =	simm.s32 $0x0;
	s21 =	sshll.u32 s4, $0x1;
	s4 =	sadd.s32 s22, s1  }
0x15: {  	[timem:s6], [sflag:s23] =	dma.local [hbm:s4], s21  }
0x16: {  	_ =	swait.ge [sflag:s23], s21  }
0x17: {  	s2 =	ssub.s32 $0x0, s21;
	[sflag:s23] =	ssyncset.done $0x0  }
0x18: {  	[sflag:s23] =	ssyncadd.s32 s2;
	_ =	sdelay $0x1  }
0x19: {  	s24 =	simm.s32 $0x1B8B  }
0x1a: {  	_ =	swait.ge [sflag:s24], $0x1  }
0x1b: {  	[sflag:s24] =	ssyncset.done $0x0  }
0x1c: {  	s26 =	simm.s32 $0x1B8E;
	s25 =	sld [smem:$0x3FFE];
	[sflag:s24] =	ssyncadd.s32 $0xFFFFFFFF  }
0x1d: {  	s27 =	simm.s32 $execute0_lowered;
	[smem:$0x3FD2] =	sst s26  }
0x1e: {  	s4 =	sshll.u32 s27, $0x1;
	_ =	strace $0x80000046;
	[dreg:$0x1] =	wrdreg $0xFFFFFFFF  }
0x1f: {  	s28 =	simm.s32 $_size_execute0_lowered;
	s1 =	sadd.s32 s1, s4;
	[dreg:$0x0] =	wrdreg $0x0  }
0x20: {  	s4 =	sshll.u32 s28, $0x1;
	[dreg:$0x2] =	wrdreg s1  }
0x21: {  	[dreg:$0x3] =	wrdreg s4  }
0x22: {  	[dreg:$0x4] =	wrdreg $0xC0  }
0x23: {  	_ =	task [dreg:s6], $0x5FFFF  }
0x24: {  	[dreg:$0x1] =	wrdreg $0xFFFFFFFF  }
0x25: {  	[dreg:$0x0] =	wrdreg $0x60  }
0x26: {  	[dreg:$0x2] =	wrdreg s25  }
0x27: {  	[dreg:$0x3] =	wrdreg $0xA  }
0x28: {  	_ =	task.clear_ibuf [dreg:s6], $0x4FFFF;
	_ =	strace $0x90000046  }
0x29: {  	s29 =	simm.s32 $0xA;
	_ =	strace $0x80000048  }
0x2a: {  	_ =	swait.ge [sflag:s29], $0x1  }
0x2b: {  	[sflag:s29] =	ssyncadd.s32 $0xFFFFFFFF  }
0x2c: {  	_ =	strace $0x90000048  }
0x2d: {  	_ =	sfence  }
0x2e: {  	s30 =	sld [smem:$0x0];
	_ =	sdelay $0x2  }
0x2f: {  	s31 =	sshll.u32 s3, $0xD;
	s3 =	sshrl.u32 s3, $0x2  }
0x30: {  	s2 =	sand.u32 $0x4000, s31;
	s1 =	sadd.s32 s3, s30  }
0x31: {  	s0 =	sor.u32 s2, s0;
	s1 =	sshll.u32 s1, $0x11  }
0x32: {  	s0 =	sor.u32 s1, s0  }
0x33: {  	s0 =	sadd.s32 $0x8F2B, s0  }
0x34: {  	[sflag:s0] =	ssyncadd.remote.s32 $0x1  }
0x35: {  	_ =	sfence.sel $0xFFFF  }
0x36: {  	[dreg:$0x0] =	wrdreg $0xFFFFFFFF;
	(pc) =	sbr.abs _section_cstart, $3  }
0x37: {  	[dreg:$0x1] =	wrdreg $0xFFFFFFFF  }
0x38: {  	_ =	task.clear_ibuf [dreg:s6], $0x2FFFF;
	_ =	strace $0x9FFFFFFF  }
0x39: {  	(tm) =	ssettm $0x7FFFFFFF  }
tec
execute0_lowered:
.L_overlay_start_1:
0x0: {  	(tag) =	ssettag $0x1  }
0x1: {  	s0 =	srdreg.scid  }
0x2: {  	s0 =	sshll.u32 s0, $0x4  }
0x3: {  	s1 =	stileid.u32;
	s0 =	sand.u32 $0x10, s0  }
0x4: {  	s0 =	sor.u32 s1, s0  }
0x5: {  	s10 =	sshll.u32 s0, $0x7  }
0x6: {  	s2 =	rddreg [dreg:$0x0];
	s0 =	ssub.s32 $0x2700, s10  }
0x7: {  	_ =	strace $0x80000047;
	s29 =	simm.s32 $0x1;
	s0 =	sshrl.u32 s0, $0xC  }
0x8: {  	s30 =	simm.s32 $0x2;
	s15 =	simm.s32 $0x0;
	s0 =	smul.u32 $0x14, s0  }
.Ltmp0:
0x9: {  	s14 =	simm.s32 $0x0;
	s2 =	sadd.s32 $0x304C00, s2;
	(pc) =	sbr.rel .LBB1_1-.Ltmp0, $4  }
0xa: {  	s9 =	simm.s32 $0x0;
	s11 =	simm.s32 $0x0;
	[dreg:$0x3] =	wrdreg s2  }
0xb: {  	s12 =	simm.s32 $0x0;
	[dreg:$0x2] =	wrdreg s10;
	s31 =	sadd.s32 $0x14, s0  }
0xc: {  	[sflag:s29] =	ssyncpa.u1 $0x0;
	s8 =	sadd.s32 $0x15, s0;
	[dreg:$0x4] =	wrdreg s31  }
0xd: {  	s13 =	simm.s32 $0x0;
	[sflag:s30] =	ssyncpa.u1 $0x0;
	[dreg:$0x5] =	wrdreg s8  }
.LBB1_12:
0xe: {  	s9 =	rddreg [dreg:$0x6];
	s1 =	sshll.u32 s11, $0x3  }
0xf: {  	s26 =	sand.u32 $0x7F, s11;
	s5 =	rddreg [dreg:$0xa];
	s0 =	sshrl.u32 s9, $0x3  }
0x10: {  	s4 =	smov.u32 s11;
	s6 =	rddreg [dreg:$0x9];
	s0 =	smul.u32 $0x5000, s0  }
0x11: {  	s30 =	rddreg [dreg:$0x3];
	s1 =	sand.u32 $0xFFFFFC00, s1;
	s2 =	sshll.u32 s9, $0x7  }
0x12: {  	s31 =	simm.s32 $0x5000;
	s25 =	sand.u32 $0x380, s2;
	s0 =	sadd.s32 s1, s0  }
0x13: {  	p0 =	sgt.s32 s9, $0x2690;
	s2 =	smov.u32 s9;
	s0 =	sor.u32 s25, s0  }
0x14: {  	s2 =	simm.s32 @!p0 $0x2690;
	s1 =	sor.u32 s26, s0;
	s0 =	smulhi.u32 $0xCCCCCCCD, s0  }
0x15: {  	s8 =	rddreg [dreg:$0x5];
	p0 =	sgt.s32 s11, $0x980;
	s2 =	sadd.s32 s5, s2  }
0x16: {  	s4 =	simm.s32 @!p0 $0x980;
	s3 =	smulhi.u32 $0xCCCCCCCD, s1;
	s0 =	sshrl.u32 s0, $0xB  }
0x17: {  	s4 =	sadd.s32 s6, s4;
	s28 =	sadd.s32 $0xFFFFD970, s2;
	s27 =	smulhi.u32 $0x1A36E3, s0  }
0x18: {  	s2 =	ssub.s32 $0x2710, s2;
	p0 =	sgt.s32 s28, $0x7F;
	s3 =	sshrl.u32 s3, $0xB  }
0x19: {  	s29 =	sadd.s32 $0xFFFFF680, s4;
	s3 =	smul.u32 $0xA00, s3;
	s5 =	sshrl.u32 s27, $0x2  }
0x1a: {  	s4 =	ssub.s32 $0xA00, s4;
	p1 =	sgt.s32 s29, $0x7F;
	s5 =	smul.u32 $0x2710, s5  }
0x1b: {  	s14 =	rddreg [dreg:$0x7];
	s2 =	simm.s32 @p0 $0x0;
	s4 =	simm.s32 @p1 $0x0  }
0x1c: {  	s2 =	smul.u32 s4, s2;
	s1 =	ssub.s32 s1, s3;
	s0 =	ssub.s32 s0, s5  }
0x1d: {  	s3 =	sshrl.u32 s1, $0x3;
	s1 =	sand.u32 $0x7, s1;
	s0 =	smul.u32 $0x140, s0  }
0x1e: {  	s15 =	rddreg [dreg:$0x8];
	s3 =	sadd.s32 s30, s3;
	s1 =	sshll.u32 s1, $0x12  }
0x1f: {  	s2 =	sand.u32 $0x3FFFFFFF, s2;
	s1 =	sor.u32 $0x400, s1;
	s0 =	sadd.s32 s0, s3  }
0x20: {  	[hbm4b:s0+s1] =	stream.strided.scatter [tilespmem:s17], [sflag:$0x2], s2, s31, s1, $0x20;
	[tilespmem:$0x10100] =	vst v63  }
.LBB1_13:
0x21: {  	p0 =	slt.u32 s13, $0x2  }
0x22: {  	s1 =	smov.u32 s15;
	s2 =	smov.u32 s14;
	p1 =	sgt.s32 @!p0 s15, $0x2690  }
0x23: {  	s0 =	sshra.s32 @!p0 s15, $0x1F;
	p2 =	sgt.s32 @!p0 s14, $0x980;
	s3 =	sshra.s32 @!p0 s14, $0x1F  }
0x24: {  	p1 =	por !p1, p0;
	s0 =	sand.u32 @!p0 s0, s15;
	p2 =	por !p2, p0  }
0x25: {  	s3 =	sand.u32 @!p0 s3, s14;
	s1 =	simm.s32 @p1 $0x2690;
	s2 =	simm.s32 @p2 $0x980  }
0x26: {  	s0 =	ssub.s32 @!p0 s1, s0;
	s1 =	ssub.s32 @!p0 s2, s3  }
0x27: {  	s2 =	sadd.s32 @!p0 $0xFFFFD970, s0;
	s3 =	sadd.s32 @!p0 $0xFFFFF680, s1  }
0x28: {  	s0 =	ssub.s32 @!p0 $0x2710, s0;
	p1 =	sgt.s32 @!p0 s2, $0x7F;
	p2 =	sgt.s32 @!p0 s3, $0x7F  }
0x29: {  	s1 =	ssub.s32 @!p0 $0xA00, s1;
	p1 =	por !p1, p0;
	p2 =	por !p2, p0  }
0x2a: {  	s0 =	simm.s32 @!p1 $0x0;
	s1 =	simm.s32 @!p2 $0x0  }
0x2b: {  	s0 =	smul.u32 @!p0 s1, s0  }
0x2c: {  	s4 =	smov.u32 s12  }
0x2d: {  	s2 =	simm.s32 @!p0 $0x2;
	s1 =	sadd.s32 $0x1000, s10;
	s0 =	sand.u32 @!p0 $0x3FFFFFFF, s0  }
0x2e: {  	s3 =	sadd.s32 $0x80, s12;
	p1 =	sgt.s32 s1, $0x270F;
	_ =	swait.ge @!p0 [sflag:s2], s0  }
0x2f: {  	s4 =	smov.u32 @p1 s3;
	s3 =	rddreg [dreg:$0x2]  }
0x30: {  	s1 =	smov.u32 @p1 s3;
	p1 =	sgt.s32 s4, $0x9C3  }
0x31: {  	s4 =	simm.s32 @p1 $0x0;
	p1 =	sne.s32 s13, s8  }
.Ltmp1:
0x32: {  	_ = 	snop;
	(pc) =	sbr.rel @!p1 .LBB1_14-.Ltmp1, $4  }
0x33: {  	s15 =	smov.u32 s9  }
0x34: {  	s14 =	smov.u32 s11;
	s0 =	ssub.s32 @!p0 $0x0, s0;
	[sflag:s2] =	ssyncset.done @!p0 $0x0  }
0x35: {  	s9 =	smov.u32 s10;
	s11 =	smov.u32 s12;
	[sflag:s2] =	ssyncadd.s32 @!p0 s0  }
0x36: {  	s13 =	sadd.s32 $0x1, s13;
	s10 =	smov.u32 s1;
	s12 =	smov.u32 s4  }
.LBB1_1:
0x37: {  	s0 =	rddreg [dreg:$0x4]  }
0x38: {  	s3 =	smov.u32 s12;
	s5 =	smov.u32 s10;
	p0 =	sge.u32 s13, s0  }
0x39: {  	s0 =	sshrl.u32 @!p0 s12, $0x3;
	s1 =	sshll.u32 @!p0 s10, $0x3;
	s2 =	sshll.u32 @!p0 s12, $0x7  }
0x3a: {  	p1 =	sgt.s32 @!p0 s12, $0x948;
	s4 =	sshra.s32 @!p0 s12, $0x1F;
	s6 =	sshra.s32 @!p0 s10, $0x1F  }
0x3b: {  	s0 =	smul.u32 @!p0 $0x13C00, s0;
	s1 =	sand.u32 @!p0 $0xFFFFFC00, s1;
	p1 =	por !p1, p0  }
0x3c: {  	s4 =	sand.u32 @!p0 s4, s12;
	s6 =	sand.u32 @!p0 s6, s10;
	s3 =	simm.s32 @p1 $0x948  }
0x3d: {  	p1 =	sgt.s32 @!p0 s10, $0x2700;
	s0 =	sadd.s32 @!p0 s0, s1;
	s1 =	sand.u32 @!p0 $0x380, s2  }
0x3e: {  	s2 =	sand.u32 @!p0 $0x7F, s10;
	p1 =	por !p1, p0;
	s0 =	sor.u32 @!p0 s1, s0  }
0x3f: {  	s3 =	ssub.s32 @!p0 s3, s4;
	s5 =	simm.s32 @p1 $0x2700;
	s1 =	sor.u32 @!p0 s2, s0  }
0x40: {  	s0 =	smulhi.u32 @!p0 $0xCF6474A9, s0;
	s4 =	ssub.s32 @!p0 s5, s6;
	s6 =	sadd.s32 @!p0 $0xFFFFF6B8, s3  }
0x41: {  	s3 =	ssub.s32 @!p0 $0x9C8, s3;
	s2 =	smulhi.u32 @!p0 $0xCF6474A9, s1;
	s7 =	sadd.s32 @!p0 $0xFFFFD900, s4  }
0x42: {  	p1 =	sgt.s32 @!p0 s6, $0x7F;
	s4 =	ssub.s32 @!p0 $0x2780, s4;
	s0 =	sshrl.u32 @!p0 s0, $0xD  }
0x43: {  	p2 =	sgt.s32 @!p0 s7, $0x7F;
	s2 =	sshrl.u32 @!p0 s2, $0xD;
	s5 =	smulhi.u32 @!p0 $0x1A2C2B, s0  }
0x44: {  	p1 =	por !p1, p0;
	p2 =	por !p2, p0;
	s2 =	smul.u32 @!p0 $0x2780, s2  }
0x45: {  	s3 =	simm.s32 @!p1 $0x0;
	s4 =	simm.s32 @!p2 $0x0  }
0x46: {  	s5 =	smul.u32 @!p0 $0x9C8, s5;
	s1 =	ssub.s32 @!p0 s1, s2;
	s2 =	sxor.u32 @!p0 $0xFFFFFFFF, s13  }
0x47: {  	s3 =	smul.u32 @!p0 s3, s4;
	s2 =	sshll.u32 @!p0 s2, $0xE  }
0x48: {  	s0 =	ssub.s32 @!p0 s0, s5;
	s4 =	sshrl.u32 @!p0 s1, $0x3;
	s1 =	sand.u32 @!p0 $0x7, s1  }
0x49: {  	s3 =	sand.u32 @!p0 $0x3FFFFFFF, s3;
	s5 =	rddreg [dreg:$0x0];
	s0 =	smul.u32 @!p0 $0x4F0, s0  }
0x4a: {  	s2 =	sand.u32 @!p0 $0x4000, s2;
	s4 =	sadd.s32 @!p0 s5, s4;
	s1 =	sshll.u32 @!p0 s1, $0x12  }
0x4b: {  	s1 =	sor.u32 @!p0 $0x400, s1;
	s0 =	sadd.s32 @!p0 s0, s4;
	s4 =	simm.s32 @!p0 $0x13C00  }
0x4c: {  	[tilespmem:s2], [sflag:$0x1] =	stream.strided.gather @!p0 [hbm4b:s0+s1], s3, s4, s1, $0x38;
	[tilespmem:$0x10100] =	vst v63  }
0x4d: {  	p0 =	seq.s32 s13, $0x0  }
0x4e: {  	p1 =	sge.u32 @!p0 s13, s8  }
0x4f: {  	p0 =	por p0, p1  }
.Ltmp2:
0x50: {  	_ = 	snop;
	(pc) =	sbr.rel @p0 .LBB1_13-.Ltmp2, $1  }
0x51: {  	_ =	sdelay $0x3  }
0x52: {  	s0 =	ssub.s32 $0x0, s11;
	s1 =	sshra.s32 s11, $0x1F;
	p0 =	sgt.s32 s11, $0x948  }
0x53: {  	s2 =	smov.u32 s11;
	s25 =	ssub.s32 $0x0, s9;
	s26 =	sshra.s32 s9, $0x1F  }
0x54: {  	s3 =	smov.u32 s9;
	s2 =	simm.s32 @!p0 $0x948;
	p0 =	sgt.s32 s9, $0x2700  }
0x55: {  	s4 =	sand.u32 s0, s1;
	s1 =	sand.u32 s25, s26;
	s3 =	simm.s32 @!p0 $0x2700  }
0x56: {  	s2 =	sadd.s32 s4, s2;
	[dreg:$0xa] =	wrdreg s1;
	s1 =	sadd.s32 s1, s3  }
0x57: {  	s27 =	sadd.s32 $0xFFFFF6B8, s2;
	s2 =	ssub.s32 $0x9C8, s2;
	s28 =	sadd.s32 $0xFFFFD900, s1  }
0x58: {  	p0 =	sgt.s32 s27, $0x7F;
	s0 =	ssub.s32 $0x2780, s1;
	p1 =	sgt.s32 s28, $0x7F  }
0x59: {  	s2 =	simm.s32 @p0 $0x0;
	s0 =	simm.s32 @p1 $0x0  }
0x5a: {  	s29 =	smul.u32 s2, s0;
	s2 =	sadd.s32 $0x80, s11  }
0x5b: {  	p0 =	slt.s32 s2, $0x9C4  }
0x5c: {  	s2 =	simm.s32 @!p0 $0x9C4  }
0x5d: {  	[dreg:$0x8] =	wrdreg s15;
	s19 =	ssub.s32 s2, s11  }
0x5e: {  	[dreg:$0x7] =	wrdreg s14;
	p0 =	slt.s32 s19, $0x1  }
.Ltmp3:
0x5f: {  	[dreg:$0x6] =	wrdreg s9;
	s30 =	simm.s32 $0x1;
	(pc) =	sbr.rel @p0 .LBB1_12-.Ltmp3, $4  }
0x60: {  	[dreg:$0x9] =	wrdreg s4;
	s0 =	sand.u32 $0x1, s13;
	s1 =	sand.u32 $0x3FFFFFFF, s29  }
0x61: {  	s31 =	smul.u32 $0x4080, s0;
	_ =	swait.ge [sflag:s30], s1  }
0x62: {  	s1 =	ssub.s32 $0x0, s1;
	[sflag:s30] =	ssyncset.done $0x0  }
0x63: {  	s17 =	sor.u32 $0x8000, s31;
	[sflag:s30] =	ssyncadd.s32 s1  }
0x64: {  	s2 =	rddreg [dreg:$0x6]  }
0x65: {  	s1 =	sadd.s32 $0x80, s2  }
0x66: {  	p0 =	slt.s32 s1, $0x2710  }
.Ltmp4:
0x67: {  	s1 =	simm.s32 @!p0 $0x2710;
	(pc) =	sbr.rel .LBB1_4-.Ltmp4, $4  }
0x68: {  	s22 =	sshll.u32 s0, $0xE;
	s1 =	ssub.s32 s1, s2  }
0x69: {  	s24 =	simm.s32 $0x0;
	s25 =	simm.s32 $0x400;
	s1 =	sadd.s32 $0xF, s1  }
0x6a: {  	s20 =	sand.u32 $0xFFFFFFF0, s1;
	s21 =	sand.u32 $0xFFFFFF00, s1;
	s31 =	sshll.u32 s1, $0x3  }
0x6b: {  	p0 =	slt.s32 s1, $0x100;
	s23 =	sand.u32 $0xFFFFF800, s31;
	p1 =	sge.s32 s21, s20  }
.LBB1_11:
0x6c: {  	s24 =	sadd.s32 $0x1, s24  }
0x6d: {  	p2 =	sne.s32 s24, s19  }
.Ltmp5:
0x6e: {  	_ = 	snop;
	(pc) =	sbr.rel @!p2 .LBB1_12-.Ltmp5, $2  }
0x6f: {  	_ =	sdelay $0x2  }
0x70: {  	s25 =	sadd.s32 $0x80, s25  }
.LBB1_4:
.Ltmp6:
0x71: {  	(pc) =	sbr.rel @p0 .LBB1_8-.Ltmp6, $2  }
0x72: {  	_ =	sdelay $0x2  }
0x73: {  	s26 =	sshll.u32 s24, $0x7;
	s27 =	sand.u32 $0x7F, s24  }
0x74: {  	s0 =	sshll.u32 s24, $0x3  }
0x75: {  	s5 =	sand.u32 $0x380, s26;
	s3 =	sshrl.u32 s0, $0x7  }
0x76: {  	s2 =	sadd.s32 $0x800, s0;
	s6 =	sadd.s32 $0x1000, s0;
	s18 =	sadd.s32 s5, s22  }
0x77: {  	s9 =	sadd.s32 $0x1800, s0;
	s16 =	sadd.s32 $0x2800, s0;
	s7 =	sadd.s32 $0x3000, s0  }
0x78: {  	s0 =	sadd.s32 $0x3800, s0;
	s1 =	sand.u32 $0x78, s3;
	s2 =	sshrl.u32 s2, $0x7  }
0x79: {  	s8 =	sshrl.u32 s6, $0x7;
	s6 =	sshrl.u32 s9, $0x7;
	s9 =	sshrl.u32 s0, $0x7  }
0x7a: {  	v0 =	vmov s18;
	s18 =	sand.u32 $0x3C00, s25;
	s4 =	smul.u32 $0x204, s1;
	s2 =	sand.u32 $0x78, s2  }
0x7b: {  	s5 =	sand.u32 $0x78, s8;
	s14 =	sand.u32 $0x78, s6;
	s2 =	smul.u32 $0x204, s2  }
0x7c: {  	s1 =	sxor.u32 $0x40, s1;
	s8 =	sshrl.u32 s7, $0x7;
	s5 =	smul.u32 $0x204, s5  }
0x7d: {  	s7 =	sadd.s32 $0x30, s3;
	s1 =	smul.u32 $0x204, s1;
	s4 =	sshrl.u32 s4, $0x2  }
0x7e: {  	s4 =	sadd.s32 s4, s17;
	s2 =	sshrl.u32 s2, $0x2;
	s15 =	sshrl.u32 s5, $0x2  }
0x7f: {  	s5 =	sshrl.u32 s16, $0x7;
	s1 =	sshrl.u32 s1, $0x2;
	s16 =	sadd.s32 $0x20, s3  }
0x80: {  	s2 =	sadd.s32 s2, s17;
	s28 =	sadd.s32 s27, s4;
	s4 =	sadd.s32 s15, s17  }
0x81: {  	s6 =	sadd.s32 s1, s17;
	s29 =	sadd.s32 s27, s2;
	s2 =	smul.u32 $0x204, s14  }
0x82: {  	s15 =	sadd.s32 $0x10, s3;
	s30 =	sadd.s32 s27, s4;
	s4 =	sand.u32 $0x78, s5  }
0x83: {  	s5 =	sand.u32 $0x78, s15;
	s4 =	smul.u32 $0x204, s4;
	s2 =	sshrl.u32 s2, $0x2  }
0x84: {  	s31 =	sadd.s32 s27, s6;
	s5 =	smul.u32 $0x204, s5;
	s2 =	sadd.s32 s2, s17  }
0x85: {  	s4 =	sshrl.u32 s4, $0x2;
	s1 =	sadd.s32 s27, s2;
	s2 =	sand.u32 $0x78, s8  }
0x86: {  	s14 =	sand.u32 $0x78, s9;
	s4 =	sadd.s32 s4, s17;
	s2 =	smul.u32 $0x204, s2  }
0x87: {  	s6 =	sand.u32 $0x78, s16;
	s5 =	sshrl.u32 s5, $0x2;
	s0 =	sadd.s32 s27, s4  }
0x88: {  	s4 =	smul.u32 $0x204, s14;
	s14 =	sadd.s32 $0x60, s3;
	s2 =	sshrl.u32 s2, $0x2  }
0x89: {  	s5 =	sadd.s32 s5, s17;
	s14 =	sand.u32 $0x78, s14;
	s2 =	sadd.s32 s2, s17  }
0x8a: {  	s4 =	sshrl.u32 s4, $0x2;
	s14 =	smul.u32 $0x204, s14;
	s8 =	sadd.s32 s27, s2  }
0x8b: {  	s2 =	sadd.s32 s4, s17;
	s4 =	smul.u32 $0x204, s6;
	s6 =	sand.u32 $0x78, s7  }
0x8c: {  	s7 =	sadd.s32 $0x50, s3;
	s3 =	sadd.s32 $0x70, s3;
	s14 =	sshrl.u32 s14, $0x2  }
0x8d: {  	s6 =	smul.u32 $0x204, s6;
	s7 =	sand.u32 $0x78, s7;
	s3 =	sand.u32 $0x78, s3  }
0x8e: {  	v1 =	vld.idx.msk [tilespmem:v0+s18+$0x0 ss:$0x1], $0xffff;
	s14 =	sadd.s32 s14, s17;
	s4 =	sshrl.u32 s4, $0x2;
	s7 =	smul.u32 $0x204, s7  }
0x8f: {  	s3 =	smul.u32 $0x204, s3;
	s6 =	sshrl.u32 s6, $0x2;
	s4 =	sadd.s32 s4, s17  }
0x90: {  	s15 =	sadd.s32 s6, s17;
	s6 =	sadd.s32 s27, s5;
	s5 =	sadd.s32 s27, s4  }
0x91: {  	s7 =	sshrl.u32 s7, $0x2;
	s3 =	sshrl.u32 s3, $0x2;
	s4 =	sadd.s32 s27, s15  }
0x92: {  	s7 =	sadd.s32 s7, s17;
	s9 =	sadd.s32 s3, s17;
	s15 =	sadd.s32 $0xFFFFFC00, s25  }
0x93: {  	[tilespmem:s28+$0x0 ss:$0x81] =	vst.msk $0xffff, v1;
	v1 =	vld.idx.msk [tilespmem:v0+s18+$0x20 ss:$0x1], $0xffff;
	s3 =	sadd.s32 s27, s7;
	s7 =	sadd.s32 s27, s14;
	s14 =	sand.u32 $0x3C00, s15  }
0x94: {  	v2 =	vld.idx.msk [tilespmem:v0+s14+$0x70 ss:$0x1], $0xffff  }
0x95: {  	v3 =	vld.idx.msk [tilespmem:v0+s14+$0x0 ss:$0x1], $0xffff  }
0x96: {  	v4 =	vld.idx.msk [tilespmem:v0+s14+$0x10 ss:$0x1], $0xffff  }
0x97: {  	v5 =	vld.idx.msk [tilespmem:v0+s14+$0x20 ss:$0x1], $0xffff  }
0x98: {  	s2 =	sadd.s32 s27, s2;
	v6 =	vld.idx.msk [tilespmem:v0+s14+$0x30 ss:$0x1], $0xffff  }
0x99: {  	v7 =	vld.idx.msk [tilespmem:v0+s14+$0x40 ss:$0x1], $0xffff;
	[tilespmem:s2+$0x0 ss:$0x81] =	vst.msk $0xffff, v2  }
0x9a: {  	v8 =	vld.idx.msk [tilespmem:v0+s14+$0x50 ss:$0x1], $0xffff;
	[tilespmem:s28+$0x0 ss:$0x81] =	vst.msk $0xffff, v3  }
0x9b: {  	p2 =	sgt.s32 s21, $0x100;
	v9 =	vld.idx.msk [tilespmem:v0+s14+$0x60 ss:$0x1], $0xffff;
	[tilespmem:s29+$0x0 ss:$0x81] =	vst.msk $0xffff, v4  }
.Ltmp7:
0x9c: {  	v4 =	vld.idx.msk [tilespmem:v0+s18+$0x10 ss:$0x1], $0xffff;
	[tilespmem:s30+$0x0 ss:$0x81] =	vst.msk $0xffff, v5;
	(pc) =	sbr.rel @!p2 .LBB1_7-.Ltmp7, $4  }
0x9d: {  	[tilespmem:s1+$0x0 ss:$0x81] =	vst.msk $0xffff, v6;
	v2 =	vld.idx.msk [tilespmem:v0+s18+$0x30 ss:$0x1], $0xffff  }
0x9e: {  	[tilespmem:s31+$0x0 ss:$0x81] =	vst.msk $0xffff, v7;
	v3 =	vld.idx.msk [tilespmem:v0+s18+$0x40 ss:$0x1], $0xffff  }
0x9f: {  	[tilespmem:s0+$0x0 ss:$0x81] =	vst.msk $0xffff, v8;
	v5 =	vld.idx.msk [tilespmem:v0+s18+$0x50 ss:$0x1], $0xffff  }
0xa0: {  	s16 =	sadd.s32 s27, s9;
	s15 =	sadd.s32 $0x800, s25;
	s14 =	simm.s32 $0x100;
	[tilespmem:s8+$0x0 ss:$0x81] =	vst.msk $0xffff, v9;
	v6 =	vld.idx.msk [tilespmem:v0+s18+$0x60 ss:$0x1], $0xffff  }
.LBB1_6:
0xa1: {  	s9 =	sadd.s32 $0xFFFFFC00, s15;
	s14 =	sadd.s32 $0x100, s14;
	[tilespmem:s6+$0x0 ss:$0x81] =	vst.msk $0xffff, v4;
	v4 =	vld.idx.msk [tilespmem:v0+s18+$0x70 ss:$0x1], $0xffff;
	s18 =	sand.u32 $0x3C00, s15  }
0xa2: {  	s9 =	sand.u32 $0x3C00, s9;
	v7 =	vld.idx.msk [tilespmem:v0+s18+$0x0 ss:$0x1], $0xffff;
	p2 =	slt.s32 s14, s21;
	[tilespmem:s5+$0x0 ss:$0x81] =	vst.msk $0xffff, v1  }
0xa3: {  	v1 =	vld.idx.msk [tilespmem:v0+s9+$0x70 ss:$0x1], $0xffff;
	[tilespmem:s4+$0x0 ss:$0x81] =	vst.msk $0xffff, v2  }
0xa4: {  	v2 =	vld.idx.msk [tilespmem:v0+s9+$0x0 ss:$0x1], $0xffff;
	[tilespmem:s31+$0x0 ss:$0x81] =	vst.msk $0xffff, v3  }
0xa5: {  	v3 =	vld.idx.msk [tilespmem:v0+s9+$0x10 ss:$0x1], $0xffff;
	[tilespmem:s3+$0x0 ss:$0x81] =	vst.msk $0xffff, v5  }
0xa6: {  	v5 =	vld.idx.msk [tilespmem:v0+s9+$0x20 ss:$0x1], $0xffff;
	[tilespmem:s7+$0x0 ss:$0x81] =	vst.msk $0xffff, v6  }
0xa7: {  	v6 =	vld.idx.msk [tilespmem:v0+s9+$0x30 ss:$0x1], $0xffff;
	[tilespmem:s16+$0x0 ss:$0x81] =	vst.msk $0xffff, v4  }
0xa8: {  	v8 =	vld.idx.msk [tilespmem:v0+s9+$0x40 ss:$0x1], $0xffff;
	[tilespmem:s28+$0x0 ss:$0x81] =	vst.msk $0xffff, v7  }
0xa9: {  	v7 =	vld.idx.msk [tilespmem:v0+s9+$0x50 ss:$0x1], $0xffff;
	[tilespmem:s2+$0x0 ss:$0x81] =	vst.msk $0xffff, v1  }
0xaa: {  	[tilespmem:s28+$0x0 ss:$0x81] =	vst.msk $0xffff, v2;
	v9 =	vld.idx.msk [tilespmem:v0+s9+$0x60 ss:$0x1], $0xffff  }
0xab: {  	[tilespmem:s29+$0x0 ss:$0x81] =	vst.msk $0xffff, v3;
	v4 =	vld.idx.msk [tilespmem:v0+s18+$0x10 ss:$0x1], $0xffff  }
.Ltmp8:
0xac: {  	[tilespmem:s30+$0x0 ss:$0x81] =	vst.msk $0xffff, v5;
	v1 =	vld.idx.msk [tilespmem:v0+s18+$0x20 ss:$0x1], $0xffff;
	(pc) =	sbr.rel @p2 .LBB1_6-.Ltmp8, $4  }
0xad: {  	[tilespmem:s1+$0x0 ss:$0x81] =	vst.msk $0xffff, v6;
	v2 =	vld.idx.msk [tilespmem:v0+s18+$0x30 ss:$0x1], $0xffff  }
0xae: {  	[tilespmem:s31+$0x0 ss:$0x81] =	vst.msk $0xffff, v8;
	v3 =	vld.idx.msk [tilespmem:v0+s18+$0x40 ss:$0x1], $0xffff  }
0xaf: {  	[tilespmem:s0+$0x0 ss:$0x81] =	vst.msk $0xffff, v7;
	v5 =	vld.idx.msk [tilespmem:v0+s18+$0x50 ss:$0x1], $0xffff  }
0xb0: {  	s15 =	sadd.s32 $0x800, s15;
	[tilespmem:s8+$0x0 ss:$0x81] =	vst.msk $0xffff, v9;
	v6 =	vld.idx.msk [tilespmem:v0+s18+$0x60 ss:$0x1], $0xffff  }
.LBB1_7:
0xb1: {  	_ =	sdelay $0x2  }
0xb2: {  	[tilespmem:s6+$0x0 ss:$0x81] =	vst.msk $0xffff, v4  }
0xb3: {  	v0 =	vld.idx.msk [tilespmem:v0+s18+$0x70 ss:$0x1], $0xffff;
	[tilespmem:s5+$0x0 ss:$0x81] =	vst.msk $0xffff, v1  }
0xb4: {  	[tilespmem:s4+$0x0 ss:$0x81] =	vst.msk $0xffff, v2  }
0xb5: {  	[tilespmem:s31+$0x0 ss:$0x81] =	vst.msk $0xffff, v3  }
0xb6: {  	[tilespmem:s3+$0x0 ss:$0x81] =	vst.msk $0xffff, v5  }
0xb7: {  	[tilespmem:s7+$0x0 ss:$0x81] =	vst.msk $0xffff, v6  }
0xb8: {  	[tilespmem:s16+$0x0 ss:$0x81] =	vst.msk $0xffff, v0  }
.LBB1_8:
.Ltmp9:
0xb9: {  	(pc) =	sbr.rel @p1 .LBB1_11-.Ltmp9, $1  }
0xba: {  	_ =	sdelay $0x3  }
0xbb: {  	s1 =	sand.u32 $0x380, s26;
	s0 =	sshrl.u32 s24, $0x4;
	s2 =	sadd.s32 s27, s17  }
0xbc: {  	s3 =	smov.u32 s23;
	s4 =	smov.u32 s21;
	s1 =	sadd.s32 s1, s22  }
.LBB1_10:
0xbd: {  	s5 =	sand.u32 $0x3C00, s3  }
0xbe: {  	s5 =	sadd.s32 s26, s5  }
0xbf: {  	s5 =	sand.u32 $0x3C00, s5  }
0xc0: {  	s6 =	sand.u32 $0x70, s4;
	s30 =	sadd.s32 s4, s0;
	s5 =	sadd.s32 s5, s1  }
0xc1: {  	s4 =	sadd.s32 $0x10, s4;
	s31 =	sand.u32 $0x78, s30;
	s5 =	sadd.s32 s6, s5  }
0xc2: {  	p2 =	slt.s32 s4, s20;
	v0 =	vld [tilespmem:s5+$0x0];
	s5 =	smul.u32 $0x204, s31  }
.Ltmp10:
0xc3: {  	_ = 	snop;
	(pc) =	sbr.rel @p2 .LBB1_10-.Ltmp10, $4  }
0xc4: {  	_ = 	snop  }
0xc5: {  	s5 =	sshrl.u32 s5, $0x2  }
0xc6: {  	s5 =	sadd.s32 s5, s2  }
0xc7: {  	s3 =	sadd.s32 $0x80, s3;
	[tilespmem:s5+$0x0 ss:$0x81] =	vst.msk $0xffff, v0  }
.Ltmp11:
0xc8: {  	_ = 	snop;
	(pc) =	sbr.rel .LBB1_11-.Ltmp11, $1  }
0xc9: {  	_ =	sdelay $0x3  }
.LBB1_14:
0xca: {  	_ =	sfence.sel $0x180000  }
0xcb: {  	s0 =	simm.s32 $0x1;
	[bflag:$0x0] =	sbarrier.arrive $0xFFFF  }
0xcc: {  	s30 =	simm.s32 $0x2;
	[sflag:s0] =	ssyncpa.u1 $0x1  }
0xcd: {  	[sflag:s30] =	ssyncpa.u1 $0x1  }
0xce: {  	_ =	strace $0x90000047  }
0xcf: {  	s31 =	stileid.u32;
	[bflag:$0x2] =	sbarrier.arrive $0xFFFF  }
0xd0: {  	p0 =	sne.s32 s31, $0x0;
	s0 =	rddreg [dreg:$0x1]  }
0xd1: {  	s0 =	sadd.s32 @!p0 $0x100000, s0  }
0xd2: {  	[sflag:s0] =	ssyncadd.tile.s32 @!p0 $0x1;
	_ =	shalt  }
.Lfunc_end1:
_tile_overlayer_lowered:
.L_overlay_start_2:
0xd3: {  	(tag) =	ssettag $0x2  }
0xd4: {  	s0 =	rddreg [dreg:$0x0];
	s2 =	stileid.u32  }
0xd5: {  	s1 =	rddreg [dreg:$0x1];
	p0 =	sne.s32 s2, $0x0  }
0xd6: {  	s3 =	rddreg [dreg:$0x2];
	[bflag:$0x3] =	sbarrier.arrive $0xFFFF;
	s2 =	simm.s32 @!p0 $0x1C01  }
0xd7: {  	[timem:s3], [sflag:s2] =	dma.local @!p0 [hbm:s0], s1  }
0xd8: {  	s0 =	simm.s32 @!p0 $0x1  }
0xd9: {  	_ =	swait.ge @!p0 [sflag:s0], s1  }
0xda: {  	s1 =	ssub.s32 @!p0 $0x0, s1;
	[sflag:s0] =	ssyncset.done @!p0 $0x0  }
0xdb: {  	[sflag:s0] =	ssyncadd.s32 @!p0 s1  }
0xdc: {  	[bflag:$0x3] =	sbarrier.arrive $0xFFFF  }
0xdd: {  	_ =	shalt  }

// kernel: sparse-core-data-format-call.cloned.1.call-start
scs
called_computation_lowered:
.L_overlay_start_0:
0x0: {  	s2 =	sld [smem:$0x3FD9]  }
0x1: {  	s3 =	sld [smem:$0x3FFE];
	_ =	sdelay $0x1  }
0x2: {  	s1 =	srdreg.scid  }
0x3: {  	s0 =	sand.u32 $0x1, s1  }
0x4: {  	s18 =	sshll.u32 s0, $0xA;
	s2 =	sadd.s32 s3, s2  }
0x5: {  	s2 =	sadd.s32 s2, s18  }
0x6: {  	[smem:$0x3F70] =	sst s2  }
0x7: {  	_ = 	snop  }
0x8: {  	(tm) =	ssettm $0x1  }
0x9: {  	s19 =	sld [smem:$0x3FFB];
	_ =	sdelay $0x3  }
0xa: {  	_ =	strace s19  }
0xb: {  	s2 =	sld [smem:$0x3FFC];
	_ =	sdelay $0x3  }
0xc: {  	_ =	strace s2  }
0xd: {  	s2 =	sld [smem:$0x3FFD];
	_ =	sdelay $0x3  }
0xe: {  	_ =	strace s2  }
0xf: {  	_ =	strace $0x8FFFFFFF  }
0x10: {  	s20 =	sld [smem:$0x3FDB];
	_ =	sdelay $0x1  }
0x11: {  	s21 =	simm.s32 $_scs_section_size  }
0x12: {  	s4 =	simm.s32 $_size__tile_overlayer_lowered;
	s5 =	simm.s32 $_tile_overlayer_lowered  }
0x13: {  	s6 =	simm.s32 $0x1BFF;
	s22 =	sshll.u32 s5, $0x1;
	s3 =	sadd.s32 s21, s20  }
0x14: {  	s23 =	simm.s32 $0x0;
	s4 =	sshll.u32 s4, $0x1;
	s5 =	sadd.s32 s22, s3  }
0x15: {  	[timem:s23], [sflag:s6] =	dma.local [hbm:s5], s4  }
0x16: {  	_ =	swait.ge [sflag:s6], s4  }
0x17: {  	s4 =	ssub.s32 $0x0, s4;
	[sflag:s6] =	ssyncset.done $0x0  }
0x18: {  	[sflag:s6] =	ssyncadd.s32 s4;
	_ =	sdelay $0x1  }
0x19: {  	s24 =	simm.s32 $0x1B8B  }
0x1a: {  	_ =	swait.ge [sflag:s24], $0x1  }
0x1b: {  	[sflag:s24] =	ssyncset.done $0x0  }
0x1c: {  	[sflag:s24] =	ssyncadd.s32 $0xFFFFFFFF  }
0x1d: {  	s4 =	sld [smem:$0x0]  }
0x1e: {  	s5 =	sand.u32 $0xFFFFFFFE, s1  }
0x1f: {  	p0 =	sne.s32 s1, s5  }
0x20: {  	s5 =	sshll.u32 @p0 s5, $0xE  }
0x21: {  	s5 =	sadd.s32 @p0 $0x11B8D, s5;
	s6 =	sshll.u32 @p0 s4, $0x11  }
0x22: {  	s5 =	sor.u32 @p0 s6, s5  }
0x23: {  	[sflag:s5] =	ssyncadd.remote.s32 @p0 $0x1;
	_ =	sdelay $0x1  }
0x24: {  	s5 =	simm.s32 @p0 $0x1B8D  }
0x25: {  	_ =	swait.eq @p0 [sflag:s5], $0x1  }
0x26: {  	[sflag:s5] =	ssyncadd.s32 @p0 $0xFFFFFFFF  }
0x27: {  	s6 =	sshll.u32 @!p0 s1, $0xE  }
0x28: {  	s6 =	sor.u32 @!p0 $0x4000, s6;
	s5 =	simm.s32 @!p0 $0x1B8D  }
0x29: {  	s4 =	sshll.u32 @!p0 s4, $0x11;
	s6 =	sadd.s32 @!p0 $0x11B8D, s6;
	_ =	swait.eq @!p0 [sflag:s5], $0x1  }
0x2a: {  	s4 =	sor.u32 @!p0 s4, s6;
	[sflag:s5] =	ssyncadd.s32 @!p0 $0xFFFFFFFF  }
0x2b: {  	s26 =	simm.s32 $0x1B8E;
	s25 =	sld [smem:$0x3FFE];
	[sflag:s4] =	ssyncadd.remote.s32 @!p0 $0x1  }
0x2c: {  	s27 =	simm.s32 $execute0_lowered;
	[smem:$0x3FD2] =	sst s26  }
0x2d: {  	s5 =	sshll.u32 s27, $0x1;
	_ =	strace $0x80000049;
	[dreg:$0x1] =	wrdreg $0xFFFFFFFF  }
0x2e: {  	s28 =	simm.s32 $_size_execute0_lowered;
	s3 =	sadd.s32 s3, s5;
	[dreg:$0x0] =	wrdreg $0x0  }
0x2f: {  	s5 =	sshll.u32 s28, $0x1;
	[dreg:$0x2] =	wrdreg s3  }
0x30: {  	[dreg:$0x3] =	wrdreg s5  }
0x31: {  	[dreg:$0x4] =	wrdreg $0xC0  }
0x32: {  	_ =	task [dreg:s23], $0x5FFFF  }
0x33: {  	[dreg:$0x1] =	wrdreg $0xFFFFFFFF  }
0x34: {  	[dreg:$0x0] =	wrdreg $0x60  }
0x35: {  	[dreg:$0x2] =	wrdreg s25  }
0x36: {  	[dreg:$0x3] =	wrdreg $0x9  }
0x37: {  	_ =	task.clear_ibuf [dreg:s23], $0x4FFFF;
	_ =	strace $0x90000049  }
0x38: {  	s29 =	simm.s32 $0x9;
	_ =	strace $0x8000004B  }
0x39: {  	_ =	swait.ge [sflag:s29], $0x1  }
0x3a: {  	[sflag:s29] =	ssyncadd.s32 $0xFFFFFFFF  }
0x3b: {  	_ =	strace $0x9000004B  }
0x3c: {  	_ =	sfence  }
0x3d: {  	s30 =	sld [smem:$0x0];
	_ =	sdelay $0x2  }
0x3e: {  	s31 =	sshll.u32 s1, $0xD;
	s1 =	sshrl.u32 s1, $0x2  }
0x3f: {  	s4 =	sand.u32 $0x4000, s31;
	s1 =	sadd.s32 s1, s30  }
0x40: {  	s0 =	sor.u32 s4, s0;
	s1 =	sshll.u32 s1, $0x11  }
0x41: {  	s0 =	sor.u32 s1, s0  }
0x42: {  	s0 =	sadd.s32 $0x8F2B, s0  }
0x43: {  	[sflag:s0] =	ssyncadd.remote.s32 $0x1  }
0x44: {  	_ =	sfence.sel $0xFFFF  }
0x45: {  	[dreg:$0x0] =	wrdreg $0xFFFFFFFF;
	(pc) =	sbr.abs _section_cstart, $3  }
0x46: {  	[dreg:$0x1] =	wrdreg $0xFFFFFFFF  }
0x47: {  	_ =	task.clear_ibuf [dreg:s23], $0x2FFFF;
	_ =	strace $0x9FFFFFFF  }
0x48: {  	(tm) =	ssettm $0x7FFFFFFF  }
0x49: {  	_ =	shalt  }
tec
execute0_lowered:
.L_overlay_start_1:
0x0: {  	(tag) =	ssettag $0x1  }
0x1: {  	s0 =	srdreg.scid  }
0x2: {  	s0 =	sshll.u32 s0, $0x4  }
0x3: {  	s1 =	stileid.u32;
	s0 =	sand.u32 $0x10, s0  }
0x4: {  	s0 =	sor.u32 s1, s0  }
0x5: {  	s29 =	rddreg [dreg:$0x0];
	s12 =	sshll.u32 s0, $0x7  }
0x6: {  	_ =	strace $0x8000004A;
	s2 =	simm.s32 $0x1;
	s0 =	ssub.s32 $0x2700, s12  }
0x7: {  	s30 =	simm.s32 $0x2;
	s15 =	simm.s32 $0x0;
	s0 =	sshrl.u32 s0, $0xC  }
0x8: {  	s14 =	simm.s32 $0x0;
	s3 =	sadd.s32 $0xC80200, s29;
	s0 =	smul.u32 $0x4F, s0  }
.Ltmp0:
0x9: {  	[dreg:$0x3] =	wrdreg s3;
	s1 =	sadd.s32 $0x188E200, s29;
	(pc) =	sbr.rel .LBB1_1-.Ltmp0, $4  }
0xa: {  	s9 =	simm.s32 $0x0;
	s11 =	simm.s32 $0x0;
	[dreg:$0x4] =	wrdreg s1  }
0xb: {  	s10 =	simm.s32 $0x0;
	[dreg:$0x2] =	wrdreg s12;
	s31 =	sadd.s32 $0x4F, s0  }
0xc: {  	[sflag:s2] =	ssyncpa.u1 $0x0;
	s8 =	sadd.s32 $0x50, s0;
	[dreg:$0x5] =	wrdreg s31  }
0xd: {  	s13 =	simm.s32 $0x0;
	[sflag:s30] =	ssyncpa.u1 $0x0;
	[dreg:$0x6] =	wrdreg s8  }
.LBB1_12:
0xe: {  	s9 =	rddreg [dreg:$0x7]  }
0xf: {  	s1 =	sshll.u32 s11, $0x3;
	s25 =	sand.u32 $0x7F, s11;
	s5 =	rddreg [dreg:$0xb]  }
0x10: {  	p1 =	sgt.s32 s11, $0x2700;
	s26 =	rddreg [dreg:$0xa];
	s0 =	sshrl.u32 s9, $0x3  }
0x11: {  	s4 =	smov.u32 s11;
	s30 =	rddreg [dreg:$0x4];
	s0 =	smul.u32 $0x13C00, s0  }
0x12: {  	s31 =	simm.s32 $0x13C00;
	s1 =	sand.u32 $0xFFFFFC00, s1;
	s2 =	sshll.u32 s9, $0x7  }
0x13: {  	s8 =	rddreg [dreg:$0x6];
	s24 =	sand.u32 $0x380, s2;
	s0 =	sadd.s32 s1, s0  }
0x14: {  	p0 =	sgt.s32 s9, $0x2690;
	s3 =	smov.u32 s9;
	s0 =	sor.u32 s24, s0  }
0x15: {  	s4 =	simm.s32 @!p1 $0x2700;
	s1 =	sor.u32 s25, s0;
	s0 =	smulhi.u32 $0xCF6474A9, s0  }
0x16: {  	s3 =	simm.s32 @!p0 $0x2690;
	s4 =	sadd.s32 s26, s4;
	s2 =	smulhi.u32 $0xCF6474A9, s1  }
0x17: {  	s3 =	sadd.s32 s5, s3;
	s7 =	sadd.s32 $0xFFFFD900, s4;
	s0 =	sshrl.u32 s0, $0xD  }
0x18: {  	s4 =	ssub.s32 $0x2780, s4;
	s2 =	sshrl.u32 s2, $0xD;
	s27 =	smulhi.u32 $0x68DB9, s0  }
0x19: {  	s6 =	sadd.s32 $0xFFFFD970, s3;
	p1 =	sgt.s32 s7, $0x7F;
	s2 =	smul.u32 $0x2780, s2  }
0x1a: {  	s3 =	ssub.s32 $0x2710, s3;
	p0 =	sgt.s32 s6, $0x7F;
	s5 =	smul.u32 $0x2710, s27  }
0x1b: {  	s14 =	rddreg [dreg:$0x8];
	s4 =	simm.s32 @p1 $0x0;
	s3 =	simm.s32 @p0 $0x0  }
0x1c: {  	s28 =	smul.u32 s4, s3;
	s1 =	ssub.s32 s1, s2;
	s0 =	ssub.s32 s0, s5  }
0x1d: {  	s29 =	sshrl.u32 s1, $0x3;
	s1 =	sand.u32 $0x7, s1;
	s0 =	smul.u32 $0x4F0, s0  }
0x1e: {  	s15 =	rddreg [dreg:$0x9];
	s3 =	sadd.s32 s30, s29;
	s1 =	sshll.u32 s1, $0x12  }
0x1f: {  	s2 =	sand.u32 $0x3FFFFFFF, s28;
	s1 =	sor.u32 $0x400, s1;
	s0 =	sadd.s32 s0, s3  }
0x20: {  	[hbm4b:s0+s1] =	stream.strided.scatter [tilespmem:s18], [sflag:$0x2], s2, s31, s1, $0x20;
	[tilespmem:$0x10100] =	vst v63  }
.LBB1_13:
0x21: {  	p0 =	slt.u32 s13, $0x2  }
0x22: {  	s1 =	smov.u32 s15;
	s2 =	smov.u32 s14;
	p1 =	sgt.s32 @!p0 s15, $0x2690  }
0x23: {  	s0 =	sshra.s32 @!p0 s15, $0x1F;
	p2 =	sgt.s32 @!p0 s14, $0x2700;
	s3 =	sshra.s32 @!p0 s14, $0x1F  }
0x24: {  	p1 =	por !p1, p0;
	s0 =	sand.u32 @!p0 s0, s15;
	p2 =	por !p2, p0  }
0x25: {  	s3 =	sand.u32 @!p0 s3, s14;
	s1 =	simm.s32 @p1 $0x2690;
	s2 =	simm.s32 @p2 $0x2700  }
0x26: {  	s0 =	ssub.s32 @!p0 s1, s0;
	s1 =	ssub.s32 @!p0 s2, s3  }
0x27: {  	s2 =	sadd.s32 @!p0 $0xFFFFD970, s0;
	s3 =	sadd.s32 @!p0 $0xFFFFD900, s1  }
0x28: {  	s0 =	ssub.s32 @!p0 $0x2710, s0;
	p1 =	sgt.s32 @!p0 s2, $0x7F;
	p2 =	sgt.s32 @!p0 s3, $0x7F  }
0x29: {  	s1 =	ssub.s32 @!p0 $0x2780, s1;
	p1 =	por !p1, p0;
	p2 =	por !p2, p0  }
0x2a: {  	s0 =	simm.s32 @!p1 $0x0;
	s1 =	simm.s32 @!p2 $0x0  }
0x2b: {  	s0 =	smul.u32 @!p0 s1, s0  }
0x2c: {  	s4 =	smov.u32 s12;
	s2 =	simm.s32 @!p0 $0x2;
	s1 =	sadd.s32 $0x80, s10  }
0x2d: {  	s3 =	sadd.s32 $0x1000, s12;
	p1 =	sgt.s32 s1, $0x270F;
	s0 =	sand.u32 @!p0 $0x3FFFFFFF, s0  }
0x2e: {  	s4 =	smov.u32 @p1 s3;
	_ =	swait.ge @!p0 [sflag:s2], s0  }
0x2f: {  	s1 =	simm.s32 @p1 $0x0;
	p1 =	sgt.s32 s4, $0x270F;
	s3 =	rddreg [dreg:$0x2]  }
0x30: {  	s4 =	smov.u32 @p1 s3;
	p1 =	sne.s32 s13, s8  }
.Ltmp1:
0x31: {  	_ = 	snop;
	(pc) =	sbr.rel @!p1 .LBB1_14-.Ltmp1, $4  }
0x32: {  	s15 =	smov.u32 s9  }
0x33: {  	s14 =	smov.u32 s11;
	s9 =	smov.u32 s10;
	s11 =	smov.u32 s12  }
0x34: {  	s0 =	ssub.s32 @!p0 $0x0, s0;
	s10 =	smov.u32 s1;
	[sflag:s2] =	ssyncset.done @!p0 $0x0  }
0x35: {  	s13 =	sadd.s32 $0x1, s13;
	[sflag:s2] =	ssyncadd.s32 @!p0 s0;
	s12 =	smov.u32 s4  }
.LBB1_1:
0x36: {  	s0 =	rddreg [dreg:$0x5]  }
0x37: {  	s3 =	smov.u32 s12;
	s5 =	smov.u32 s10;
	p0 =	sge.u32 s13, s0  }
0x38: {  	s0 =	sshrl.u32 @!p0 s12, $0x3;
	s1 =	sshll.u32 @!p0 s10, $0x3;
	s2 =	sshll.u32 @!p0 s12, $0x7  }
0x39: {  	p1 =	sgt.s32 @!p0 s12, $0x2690;
	s4 =	sshra.s32 @!p0 s12, $0x1F;
	s6 =	sshra.s32 @!p0 s10, $0x1F  }
0x3a: {  	s0 =	smul.u32 @!p0 $0x13C00, s0;
	s1 =	sand.u32 @!p0 $0xFFFFFC00, s1;
	p1 =	por !p1, p0  }
0x3b: {  	s4 =	sand.u32 @!p0 s4, s12;
	s6 =	sand.u32 @!p0 s6, s10;
	s3 =	simm.s32 @p1 $0x2690  }
0x3c: {  	p1 =	sgt.s32 @!p0 s10, $0x2700;
	s0 =	sadd.s32 @!p0 s0, s1;
	s1 =	sand.u32 @!p0 $0x380, s2  }
0x3d: {  	s2 =	sand.u32 @!p0 $0x7F, s10;
	p1 =	por !p1, p0;
	s0 =	sor.u32 @!p0 s1, s0  }
0x3e: {  	s3 =	ssub.s32 @!p0 s3, s4;
	s5 =	simm.s32 @p1 $0x2700;
	s1 =	sor.u32 @!p0 s2, s0  }
0x3f: {  	s0 =	smulhi.u32 @!p0 $0xCF6474A9, s0;
	s4 =	ssub.s32 @!p0 s5, s6;
	s6 =	sadd.s32 @!p0 $0xFFFFD970, s3  }
0x40: {  	s3 =	ssub.s32 @!p0 $0x2710, s3;
	s2 =	smulhi.u32 @!p0 $0xCF6474A9, s1;
	s7 =	sadd.s32 @!p0 $0xFFFFD900, s4  }
0x41: {  	p1 =	sgt.s32 @!p0 s6, $0x7F;
	s4 =	ssub.s32 @!p0 $0x2780, s4;
	s0 =	sshrl.u32 @!p0 s0, $0xD  }
0x42: {  	p2 =	sgt.s32 @!p0 s7, $0x7F;
	s2 =	sshrl.u32 @!p0 s2, $0xD;
	s5 =	smulhi.u32 @!p0 $0x68DB9, s0  }
0x43: {  	p1 =	por !p1, p0;
	p2 =	por !p2, p0;
	s2 =	smul.u32 @!p0 $0x2780, s2  }
0x44: {  	s3 =	simm.s32 @!p1 $0x0;
	s4 =	simm.s32 @!p2 $0x0  }
0x45: {  	s5 =	smul.u32 @!p0 $0x2710, s5;
	s1 =	ssub.s32 @!p0 s1, s2;
	s2 =	sxor.u32 @!p0 $0xFFFFFFFF, s13  }
0x46: {  	s3 =	smul.u32 @!p0 s3, s4;
	s2 =	sshll.u32 @!p0 s2, $0xE  }
0x47: {  	s0 =	ssub.s32 @!p0 s0, s5;
	s4 =	sshrl.u32 @!p0 s1, $0x3;
	s1 =	sand.u32 @!p0 $0x7, s1  }
0x48: {  	s3 =	sand.u32 @!p0 $0x3FFFFFFF, s3;
	s5 =	rddreg [dreg:$0x3];
	s0 =	smul.u32 @!p0 $0x4F0, s0  }
0x49: {  	s2 =	sand.u32 @!p0 $0x4000, s2;
	s4 =	sadd.s32 @!p0 s5, s4;
	s1 =	sshll.u32 @!p0 s1, $0x12  }
0x4a: {  	s1 =	sor.u32 @!p0 $0x400, s1;
	s0 =	sadd.s32 @!p0 s0, s4;
	s4 =	simm.s32 @!p0 $0x13C00  }
0x4b: {  	[tilespmem:s2], [sflag:$0x1] =	stream.strided.gather @!p0 [hbm4b:s0+s1], s3, s4, s1, $0x38;
	[tilespmem:$0x10100] =	vst v63  }
0x4c: {  	p0 =	seq.s32 s13, $0x0  }
0x4d: {  	p1 =	sge.u32 @!p0 s13, s8  }
0x4e: {  	p0 =	por p0, p1  }
.Ltmp2:
0x4f: {  	_ = 	snop;
	(pc) =	sbr.rel @p0 .LBB1_13-.Ltmp2, $1  }
0x50: {  	_ =	sdelay $0x3  }
0x51: {  	s0 =	ssub.s32 $0x0, s11;
	s1 =	sshra.s32 s11, $0x1F;
	p0 =	sgt.s32 s11, $0x2690  }
0x52: {  	s2 =	smov.u32 s11;
	s25 =	ssub.s32 $0x0, s9;
	s26 =	sshra.s32 s9, $0x1F  }
0x53: {  	s3 =	smov.u32 s9;
	s2 =	simm.s32 @!p0 $0x2690;
	p0 =	sgt.s32 s9, $0x2700  }
0x54: {  	s4 =	sand.u32 s0, s1;
	s1 =	sand.u32 s25, s26;
	s3 =	simm.s32 @!p0 $0x2700  }
0x55: {  	s2 =	sadd.s32 s4, s2;
	[dreg:$0xb] =	wrdreg s1;
	s1 =	sadd.s32 s1, s3  }
0x56: {  	s27 =	sadd.s32 $0xFFFFD970, s2;
	s2 =	ssub.s32 $0x2710, s2;
	s28 =	sadd.s32 $0xFFFFD900, s1  }
0x57: {  	p0 =	sgt.s32 s27, $0x7F;
	s0 =	ssub.s32 $0x2780, s1;
	p1 =	sgt.s32 s28, $0x7F  }
0x58: {  	s2 =	simm.s32 @p0 $0x0;
	s0 =	simm.s32 @p1 $0x0  }
0x59: {  	s29 =	smul.u32 s2, s0;
	s2 =	sadd.s32 $0x80, s11  }
0x5a: {  	p0 =	slt.s32 s2, $0x2710  }
0x5b: {  	s2 =	simm.s32 @!p0 $0x2710  }
0x5c: {  	[dreg:$0x9] =	wrdreg s15;
	s19 =	ssub.s32 s2, s11  }
0x5d: {  	[dreg:$0x8] =	wrdreg s14;
	p0 =	slt.s32 s19, $0x1  }
.Ltmp3:
0x5e: {  	[dreg:$0x7] =	wrdreg s9;
	s30 =	simm.s32 $0x1;
	(pc) =	sbr.rel @p0 .LBB1_12-.Ltmp3, $4  }
0x5f: {  	[dreg:$0xa] =	wrdreg s4;
	s0 =	sand.u32 $0x1, s13;
	s1 =	sand.u32 $0x3FFFFFFF, s29  }
0x60: {  	s31 =	smul.u32 $0x4080, s0;
	_ =	swait.ge [sflag:s30], s1  }
0x61: {  	s1 =	ssub.s32 $0x0, s1;
	[sflag:s30] =	ssyncset.done $0x0  }
0x62: {  	s18 =	sor.u32 $0x8000, s31;
	[sflag:s30] =	ssyncadd.s32 s1  }
0x63: {  	s2 =	rddreg [dreg:$0x7]  }
0x64: {  	s1 =	sadd.s32 $0x80, s2  }
0x65: {  	p0 =	slt.s32 s1, $0x2710  }
.Ltmp4:
0x66: {  	s1 =	simm.s32 @!p0 $0x2710;
	(pc) =	sbr.rel .LBB1_4-.Ltmp4, $4  }
0x67: {  	s22 =	sshll.u32 s0, $0xE;
	s1 =	ssub.s32 s1, s2  }
0x68: {  	s24 =	simm.s32 $0x0;
	s25 =	simm.s32 $0x400;
	s1 =	sadd.s32 $0xF, s1  }
0x69: {  	s20 =	sand.u32 $0xFFFFFFF0, s1;
	s21 =	sand.u32 $0xFFFFFF00, s1;
	s31 =	sshll.u32 s1, $0x3  }
0x6a: {  	p0 =	slt.s32 s1, $0x100;
	s23 =	sand.u32 $0xFFFFF800, s31;
	p1 =	sge.s32 s21, s20  }
.LBB1_11:
0x6b: {  	s24 =	sadd.s32 $0x1, s24  }
0x6c: {  	p2 =	sne.s32 s24, s19  }
.Ltmp5:
0x6d: {  	_ = 	snop;
	(pc) =	sbr.rel @!p2 .LBB1_12-.Ltmp5, $2  }
0x6e: {  	_ =	sdelay $0x2  }
0x6f: {  	s25 =	sadd.s32 $0x80, s25  }
.LBB1_4:
.Ltmp6:
0x70: {  	(pc) =	sbr.rel @p0 .LBB1_8-.Ltmp6, $2  }
0x71: {  	_ =	sdelay $0x2  }
0x72: {  	s26 =	sshll.u32 s24, $0x7;
	s27 =	sand.u32 $0x7F, s24  }
0x73: {  	s0 =	sshll.u32 s24, $0x3  }
0x74: {  	s5 =	sand.u32 $0x380, s26;
	s2 =	sshrl.u32 s0, $0x7  }
0x75: {  	s3 =	sadd.s32 $0x800, s0;
	s6 =	sadd.s32 $0x1000, s0;
	s17 =	sadd.s32 s5, s22  }
0x76: {  	s16 =	sadd.s32 $0x1800, s0;
	s7 =	sadd.s32 $0x2800, s0;
	s14 =	sadd.s32 $0x3000, s0  }
0x77: {  	s0 =	sadd.s32 $0x3800, s0;
	s1 =	sand.u32 $0x78, s2;
	s3 =	sshrl.u32 s3, $0x7  }
0x78: {  	s15 =	sshrl.u32 s6, $0x7;
	s6 =	sshrl.u32 s16, $0x7;
	s8 =	sshrl.u32 s7, $0x7  }
0x79: {  	s16 =	sshrl.u32 s0, $0x7;
	s4 =	smul.u32 $0x204, s1;
	s3 =	sand.u32 $0x78, s3  }
0x7a: {  	s7 =	sadd.s32 $0x20, s2;
	v0 =	vmov s17;
	s17 =	sand.u32 $0x3C00, s25;
	s3 =	smul.u32 $0x204, s3  }
0x7b: {  	s5 =	sand.u32 $0x78, s15;
	s1 =	sxor.u32 $0x40, s1;
	s15 =	sshrl.u32 s14, $0x7  }
0x7c: {  	s5 =	smul.u32 $0x204, s5;
	s4 =	sshrl.u32 s4, $0x2;
	s3 =	sshrl.u32 s3, $0x2  }
0x7d: {  	s1 =	smul.u32 $0x204, s1;
	s4 =	sadd.s32 s4, s18;
	s3 =	sadd.s32 s3, s18  }
0x7e: {  	s28 =	sadd.s32 s27, s4;
	s4 =	sand.u32 $0x78, s6;
	s6 =	sshrl.u32 s5, $0x2  }
0x7f: {  	s29 =	sadd.s32 s27, s3;
	s3 =	smul.u32 $0x204, s4;
	s4 =	sadd.s32 s6, s18  }
0x80: {  	s14 =	sand.u32 $0x78, s7;
	s30 =	sadd.s32 s27, s4;
	s4 =	sand.u32 $0x78, s8  }
0x81: {  	s7 =	sadd.s32 $0x30, s2;
	s1 =	sshrl.u32 s1, $0x2;
	s4 =	smul.u32 $0x204, s4  }
0x82: {  	s9 =	sadd.s32 s1, s18;
	s5 =	sand.u32 $0x78, s16;
	s3 =	sshrl.u32 s3, $0x2  }
0x83: {  	s31 =	sadd.s32 s27, s9;
	s3 =	sadd.s32 s3, s18;
	s4 =	sshrl.u32 s4, $0x2  }
0x84: {  	s1 =	sadd.s32 s27, s3;
	s3 =	sand.u32 $0x78, s15;
	s4 =	sadd.s32 s4, s18  }
0x85: {  	s6 =	sadd.s32 $0x10, s2;
	s3 =	smul.u32 $0x204, s3;
	s0 =	sadd.s32 s27, s4  }
0x86: {  	s4 =	smul.u32 $0x204, s5;
	s5 =	sand.u32 $0x78, s6;
	s6 =	sand.u32 $0x78, s7  }
0x87: {  	s7 =	sadd.s32 $0x50, s2;
	s3 =	sshrl.u32 s3, $0x2;
	s5 =	smul.u32 $0x204, s5  }
0x88: {  	s6 =	smul.u32 $0x204, s6;
	s7 =	sand.u32 $0x78, s7;
	s3 =	sadd.s32 s3, s18  }
0x89: {  	s9 =	sshrl.u32 s4, $0x2;
	s4 =	smul.u32 $0x204, s14;
	s14 =	sadd.s32 $0x60, s2  }
0x8a: {  	s7 =	smul.u32 $0x204, s7;
	s2 =	sadd.s32 $0x70, s2;
	s8 =	sadd.s32 s27, s3  }
0x8b: {  	s3 =	sadd.s32 s9, s18;
	s15 =	sshrl.u32 s5, $0x2;
	s14 =	sand.u32 $0x78, s14  }
0x8c: {  	s6 =	sshrl.u32 s6, $0x2;
	s2 =	sand.u32 $0x78, s2;
	s5 =	sadd.s32 s27, s3  }
0x8d: {  	v1 =	vld.idx.msk [tilespmem:v0+s17+$0x0 ss:$0x1], $0xffff;
	s16 =	sadd.s32 s15, s18;
	s4 =	sshrl.u32 s4, $0x2;
	s14 =	smul.u32 $0x204, s14  }
0x8e: {  	s2 =	smul.u32 $0x204, s2;
	s7 =	sshrl.u32 s7, $0x2;
	s4 =	sadd.s32 s4, s18  }
0x8f: {  	s15 =	sadd.s32 s6, s18;
	s7 =	sadd.s32 s7, s18;
	s3 =	sadd.s32 s27, s4  }
0x90: {  	s4 =	sadd.s32 s27, s15;
	s14 =	sshrl.u32 s14, $0x2;
	s2 =	sshrl.u32 s2, $0x2  }
0x91: {  	s15 =	sadd.s32 $0xFFFFFC00, s25;
	s14 =	sadd.s32 s14, s18;
	s9 =	sadd.s32 s2, s18  }
0x92: {  	[tilespmem:s28+$0x0 ss:$0x81] =	vst.msk $0xffff, v1;
	v1 =	vld.idx.msk [tilespmem:v0+s17+$0x20 ss:$0x1], $0xffff;
	s2 =	sadd.s32 s27, s7;
	s7 =	sadd.s32 s27, s14;
	s14 =	sand.u32 $0x3C00, s15  }
0x93: {  	v2 =	vld.idx.msk [tilespmem:v0+s14+$0x70 ss:$0x1], $0xffff  }
0x94: {  	v3 =	vld.idx.msk [tilespmem:v0+s14+$0x0 ss:$0x1], $0xffff  }
0x95: {  	v4 =	vld.idx.msk [tilespmem:v0+s14+$0x10 ss:$0x1], $0xffff  }
0x96: {  	v5 =	vld.idx.msk [tilespmem:v0+s14+$0x20 ss:$0x1], $0xffff  }
0x97: {  	v6 =	vld.idx.msk [tilespmem:v0+s14+$0x30 ss:$0x1], $0xffff  }
0x98: {  	v7 =	vld.idx.msk [tilespmem:v0+s14+$0x40 ss:$0x1], $0xffff;
	[tilespmem:s5+$0x0 ss:$0x81] =	vst.msk $0xffff, v2  }
0x99: {  	v8 =	vld.idx.msk [tilespmem:v0+s14+$0x50 ss:$0x1], $0xffff;
	[tilespmem:s28+$0x0 ss:$0x81] =	vst.msk $0xffff, v3  }
0x9a: {  	p2 =	sgt.s32 s21, $0x100;
	v9 =	vld.idx.msk [tilespmem:v0+s14+$0x60 ss:$0x1], $0xffff;
	[tilespmem:s29+$0x0 ss:$0x81] =	vst.msk $0xffff, v4  }
.Ltmp7:
0x9b: {  	v4 =	vld.idx.msk [tilespmem:v0+s17+$0x10 ss:$0x1], $0xffff;
	[tilespmem:s30+$0x0 ss:$0x81] =	vst.msk $0xffff, v5;
	(pc) =	sbr.rel @!p2 .LBB1_7-.Ltmp7, $4  }
0x9c: {  	[tilespmem:s1+$0x0 ss:$0x81] =	vst.msk $0xffff, v6;
	v2 =	vld.idx.msk [tilespmem:v0+s17+$0x30 ss:$0x1], $0xffff  }
0x9d: {  	[tilespmem:s31+$0x0 ss:$0x81] =	vst.msk $0xffff, v7;
	v3 =	vld.idx.msk [tilespmem:v0+s17+$0x40 ss:$0x1], $0xffff  }
0x9e: {  	s6 =	sadd.s32 s27, s16;
	[tilespmem:s0+$0x0 ss:$0x81] =	vst.msk $0xffff, v8;
	v5 =	vld.idx.msk [tilespmem:v0+s17+$0x50 ss:$0x1], $0xffff  }
0x9f: {  	s16 =	sadd.s32 s27, s9;
	s15 =	sadd.s32 $0x800, s25;
	s14 =	simm.s32 $0x100;
	[tilespmem:s8+$0x0 ss:$0x81] =	vst.msk $0xffff, v9;
	v6 =	vld.idx.msk [tilespmem:v0+s17+$0x60 ss:$0x1], $0xffff  }
.LBB1_6:
0xa0: {  	s9 =	sadd.s32 $0xFFFFFC00, s15;
	s14 =	sadd.s32 $0x100, s14;
	[tilespmem:s6+$0x0 ss:$0x81] =	vst.msk $0xffff, v4;
	v4 =	vld.idx.msk [tilespmem:v0+s17+$0x70 ss:$0x1], $0xffff;
	s17 =	sand.u32 $0x3C00, s15  }
0xa1: {  	s9 =	sand.u32 $0x3C00, s9;
	v7 =	vld.idx.msk [tilespmem:v0+s17+$0x0 ss:$0x1], $0xffff;
	p2 =	slt.s32 s14, s21;
	[tilespmem:s3+$0x0 ss:$0x81] =	vst.msk $0xffff, v1  }
0xa2: {  	v1 =	vld.idx.msk [tilespmem:v0+s9+$0x70 ss:$0x1], $0xffff;
	[tilespmem:s4+$0x0 ss:$0x81] =	vst.msk $0xffff, v2  }
0xa3: {  	v2 =	vld.idx.msk [tilespmem:v0+s9+$0x0 ss:$0x1], $0xffff;
	[tilespmem:s31+$0x0 ss:$0x81] =	vst.msk $0xffff, v3  }
0xa4: {  	v3 =	vld.idx.msk [tilespmem:v0+s9+$0x10 ss:$0x1], $0xffff;
	[tilespmem:s2+$0x0 ss:$0x81] =	vst.msk $0xffff, v5  }
0xa5: {  	v5 =	vld.idx.msk [tilespmem:v0+s9+$0x20 ss:$0x1], $0xffff;
	[tilespmem:s7+$0x0 ss:$0x81] =	vst.msk $0xffff, v6  }
0xa6: {  	v6 =	vld.idx.msk [tilespmem:v0+s9+$0x30 ss:$0x1], $0xffff;
	[tilespmem:s16+$0x0 ss:$0x81] =	vst.msk $0xffff, v4  }
0xa7: {  	v8 =	vld.idx.msk [tilespmem:v0+s9+$0x40 ss:$0x1], $0xffff;
	[tilespmem:s28+$0x0 ss:$0x81] =	vst.msk $0xffff, v7  }
0xa8: {  	v7 =	vld.idx.msk [tilespmem:v0+s9+$0x50 ss:$0x1], $0xffff;
	[tilespmem:s5+$0x0 ss:$0x81] =	vst.msk $0xffff, v1  }
0xa9: {  	[tilespmem:s28+$0x0 ss:$0x81] =	vst.msk $0xffff, v2;
	v9 =	vld.idx.msk [tilespmem:v0+s9+$0x60 ss:$0x1], $0xffff  }
0xaa: {  	[tilespmem:s29+$0x0 ss:$0x81] =	vst.msk $0xffff, v3;
	v4 =	vld.idx.msk [tilespmem:v0+s17+$0x10 ss:$0x1], $0xffff  }
.Ltmp8:
0xab: {  	[tilespmem:s30+$0x0 ss:$0x81] =	vst.msk $0xffff, v5;
	v1 =	vld.idx.msk [tilespmem:v0+s17+$0x20 ss:$0x1], $0xffff;
	(pc) =	sbr.rel @p2 .LBB1_6-.Ltmp8, $4  }
0xac: {  	[tilespmem:s1+$0x0 ss:$0x81] =	vst.msk $0xffff, v6;
	v2 =	vld.idx.msk [tilespmem:v0+s17+$0x30 ss:$0x1], $0xffff  }
0xad: {  	[tilespmem:s31+$0x0 ss:$0x81] =	vst.msk $0xffff, v8;
	v3 =	vld.idx.msk [tilespmem:v0+s17+$0x40 ss:$0x1], $0xffff  }
0xae: {  	[tilespmem:s0+$0x0 ss:$0x81] =	vst.msk $0xffff, v7;
	v5 =	vld.idx.msk [tilespmem:v0+s17+$0x50 ss:$0x1], $0xffff  }
0xaf: {  	s15 =	sadd.s32 $0x800, s15;
	[tilespmem:s8+$0x0 ss:$0x81] =	vst.msk $0xffff, v9;
	v6 =	vld.idx.msk [tilespmem:v0+s17+$0x60 ss:$0x1], $0xffff  }
.LBB1_7:
0xb0: {  	_ =	sdelay $0x2  }
0xb1: {  	[tilespmem:s6+$0x0 ss:$0x81] =	vst.msk $0xffff, v4  }
0xb2: {  	v0 =	vld.idx.msk [tilespmem:v0+s17+$0x70 ss:$0x1], $0xffff;
	[tilespmem:s3+$0x0 ss:$0x81] =	vst.msk $0xffff, v1  }
0xb3: {  	[tilespmem:s4+$0x0 ss:$0x81] =	vst.msk $0xffff, v2  }
0xb4: {  	[tilespmem:s31+$0x0 ss:$0x81] =	vst.msk $0xffff, v3  }
0xb5: {  	[tilespmem:s2+$0x0 ss:$0x81] =	vst.msk $0xffff, v5  }
0xb6: {  	[tilespmem:s7+$0x0 ss:$0x81] =	vst.msk $0xffff, v6  }
0xb7: {  	[tilespmem:s16+$0x0 ss:$0x81] =	vst.msk $0xffff, v0  }
.LBB1_8:
.Ltmp9:
0xb8: {  	(pc) =	sbr.rel @p1 .LBB1_11-.Ltmp9, $1  }
0xb9: {  	_ =	sdelay $0x3  }
0xba: {  	s1 =	sand.u32 $0x380, s26;
	s0 =	sshrl.u32 s24, $0x4;
	s2 =	sadd.s32 s27, s18  }
0xbb: {  	s3 =	smov.u32 s23;
	s4 =	smov.u32 s21;
	s1 =	sadd.s32 s1, s22  }
.LBB1_10:
0xbc: {  	s5 =	sand.u32 $0x3C00, s3  }
0xbd: {  	s5 =	sadd.s32 s26, s5  }
0xbe: {  	s5 =	sand.u32 $0x3C00, s5  }
0xbf: {  	s6 =	sand.u32 $0x70, s4;
	s30 =	sadd.s32 s4, s0;
	s5 =	sadd.s32 s5, s1  }
0xc0: {  	s4 =	sadd.s32 $0x10, s4;
	s31 =	sand.u32 $0x78, s30;
	s5 =	sadd.s32 s6, s5  }
0xc1: {  	p2 =	slt.s32 s4, s20;
	v0 =	vld [tilespmem:s5+$0x0];
	s5 =	smul.u32 $0x204, s31  }
.Ltmp10:
0xc2: {  	_ = 	snop;
	(pc) =	sbr.rel @p2 .LBB1_10-.Ltmp10, $4  }
0xc3: {  	_ = 	snop  }
0xc4: {  	s5 =	sshrl.u32 s5, $0x2  }
0xc5: {  	s5 =	sadd.s32 s5, s2  }
0xc6: {  	s3 =	sadd.s32 $0x80, s3;
	[tilespmem:s5+$0x0 ss:$0x81] =	vst.msk $0xffff, v0  }
.Ltmp11:
0xc7: {  	_ = 	snop;
	(pc) =	sbr.rel .LBB1_11-.Ltmp11, $1  }
0xc8: {  	_ =	sdelay $0x3  }
.LBB1_14:
0xc9: {  	_ =	sfence.sel $0x180000  }
0xca: {  	s0 =	simm.s32 $0x1;
	[bflag:$0x0] =	sbarrier.arrive $0xFFFF  }
0xcb: {  	s30 =	simm.s32 $0x2;
	[sflag:s0] =	ssyncpa.u1 $0x1  }
0xcc: {  	[sflag:s30] =	ssyncpa.u1 $0x1  }
0xcd: {  	_ =	strace $0x9000004A  }
0xce: {  	s31 =	stileid.u32;
	[bflag:$0x2] =	sbarrier.arrive $0xFFFF  }
0xcf: {  	p0 =	sne.s32 s31, $0x0;
	s0 =	rddreg [dreg:$0x1]  }
0xd0: {  	s0 =	sadd.s32 @!p0 $0x100000, s0  }
0xd1: {  	[sflag:s0] =	ssyncadd.tile.s32 @!p0 $0x1;
	_ =	shalt  }
.Lfunc_end1:
_tile_overlayer_lowered:
.L_overlay_start_2:
0xd2: {  	(tag) =	ssettag $0x2  }
0xd3: {  	s0 =	rddreg [dreg:$0x0];
	s2 =	stileid.u32  }
0xd4: {  	s1 =	rddreg [dreg:$0x1];
	p0 =	sne.s32 s2, $0x0  }
0xd5: {  	s3 =	rddreg [dreg:$0x2];
	[bflag:$0x3] =	sbarrier.arrive $0xFFFF;
	s2 =	simm.s32 @!p0 $0x1C01  }
0xd6: {  	[timem:s3], [sflag:s2] =	dma.local @!p0 [hbm:s0], s1  }
0xd7: {  	s0 =	simm.s32 @!p0 $0x1  }
0xd8: {  	_ =	swait.ge @!p0 [sflag:s0], s1  }
0xd9: {  	s1 =	ssub.s32 @!p0 $0x0, s1;
	[sflag:s0] =	ssyncset.done @!p0 $0x0  }
0xda: {  	[sflag:s0] =	ssyncadd.s32 @!p0 s1  }
0xdb: {  	[bflag:$0x3] =	sbarrier.arrive $0xFFFF  }
0xdc: {  	_ =	shalt  }

</sc_bundles>
